<compile_context>
chip_gen: v7x
topology: tpu7x:2x2x1
jax: 0.10.2.dev20260603
libtpu: 0.0.44.dev20260713+nightly
codegen_flags: <defaults>
</compile_context>

<pallas_src>
import dataclasses
import functools

import jax
import jax.numpy as jnp
from jax import lax
from jax.experimental import pallas as pl
from jax.experimental.pallas import tpu as pltpu
from jax.experimental.pallas import tpu_sc as plsc

N = 10000
D = 128
E = 320000
NC = 2
NS = 16
NP = 10112
HN = NP // NC
CHUNK = 128
NCH = 158
ECS = NCH * CHUNK
EP = NS * ECS
WRS = 632
DUM = 1024
L = 16

_mesh = plsc.VectorSubcoreMesh(core_axis_name="c", subcore_axis_name="s")

_prep_cp = pltpu.CompilerParams()
if "needs_layout_passes" in pltpu.CompilerParams.__dataclass_fields__:
    _prep_cp = dataclasses.replace(_prep_cp, needs_layout_passes=False)


@functools.partial(
    pl.kernel,
    out_type=(jax.ShapeDtypeStruct((NC, NS, ECS), jnp.int32),
              jax.ShapeDtypeStruct((NC, NS, ECS), jnp.int32),
              jax.ShapeDtypeStruct((NC, NS, L), jnp.int32),
              jax.ShapeDtypeStruct((NC, NS, HN), jnp.float32)),
    mesh=_mesh,
    compiler_params=_prep_cp,
    scratch_types=[
        pltpu.VMEM((ECS,), jnp.int32),
        pltpu.VMEM((ECS,), jnp.int32),
        pltpu.VMEM((ECS + L,), jnp.int32),
        pltpu.VMEM((ECS + L,), jnp.int32),
        pltpu.VMEM((HN,), jnp.float32),
        pltpu.VMEM((L,), jnp.int32),
        pltpu.SemaphoreType.DMA,
    ],
)
def _prep_kernel(src_hbm, dst_hbm,
                 osrc_hbm, odst_hbm, ocnt_hbm, odeg_hbm,
                 src_v, dst_v, csrc_v, cdst_v, hist_v, cnt_v, dsem):
    c = lax.axis_index("c")
    s = lax.axis_index("s")
    lo = c * HN

    pltpu.sync_copy(src_hbm.at[s], src_v)
    pltpu.sync_copy(dst_hbm.at[s], dst_v)

    base = jax.lax.iota(jnp.int32, L)
    onesv = jnp.ones((L,), jnp.float32)

    @pl.loop(0, ECS + L, step=L)
    def _(i):
        v = base + i
        csrc_v[pl.ds(i, L)] = v & 8191
        cdst_v[pl.ds(i, L)] = HN + (v & (DUM - 1))

    @pl.loop(0, HN, step=L)
    def _(i):
        hist_v[pl.ds(i, L)] = jnp.zeros((L,), jnp.float32)

    def body(i, o):
        d = dst_v[pl.ds(i * L, L)]
        sr = src_v[pl.ds(i * L, L)]
        own = (d >= lo) & (d < lo + HN)
        dl = jnp.where(own, d - lo, 0)
        pref = plsc.cumsum(jnp.where(own, 1, 0))
        pos = jnp.where(own, o + pref - 1, 0)
        plsc.store_scatter(csrc_v, [pos], sr, mask=own)
        plsc.store_scatter(cdst_v, [pos], dl, mask=own)
        plsc.addupdate_scatter(hist_v, [dl], onesv, mask=own)
        return o + jnp.max(pref)

    count = lax.fori_loop(0, ECS // L, body, jnp.int32(0))
    tc = (count + (CHUNK - 1)) >> 7
    cnt_v[...] = jnp.broadcast_to(tc, (L,))

    pltpu.async_copy(cnt_v, ocnt_hbm.at[c, s], dsem)
    pltpu.sync_copy(csrc_v.at[pl.ds(0, ECS)], osrc_hbm.at[c, s])
    pltpu.sync_copy(cdst_v.at[pl.ds(0, ECS)], odst_hbm.at[c, s])
    pltpu.sync_copy(hist_v, odeg_hbm.at[c, s])
    pltpu.make_async_copy(cnt_v, ocnt_hbm.at[c, s], dsem).wait()


@functools.partial(
    pl.kernel,
    out_type=jax.ShapeDtypeStruct((NP, D), jnp.float32),
    mesh=_mesh,
    scratch_types=[
        pltpu.VMEM((NCH, CHUNK), jnp.int32),
        pltpu.VMEM((NCH, CHUNK), jnp.int32),
        pltpu.VMEM((CHUNK, D), jnp.float32),
        pltpu.VMEM((CHUNK, D), jnp.float32),
        pltpu.VMEM_SHARED((HN + DUM, D), jnp.float32),
        pltpu.VMEM((L,), jnp.int32),
        pltpu.SemaphoreType.DMA,
        pltpu.SemaphoreType.DMA,
    ],
)
def _prop_kernel(y_hbm, src_hbm, dst_hbm, cnt_hbm, out_hbm,
                 src_v, dst_v, buf0, buf1, acc_sh, cnt_v, sem0, sem1):
    c = lax.axis_index("c")
    s = lax.axis_index("s")

    @pl.when(s < 8)
    def _():
        r0 = s * WRS
        pltpu.async_copy(y_hbm.at[pl.ds(c * HN + r0, WRS)], acc_sh.at[pl.ds(r0, WRS)], sem0)

    pltpu.sync_copy(src_hbm.at[c, s], src_v)
    pltpu.sync_copy(dst_hbm.at[c, s], dst_v)
    pltpu.sync_copy(cnt_hbm.at[c, s], cnt_v)

    @pl.when(s < 8)
    def _():
        r0 = s * WRS
        pltpu.make_async_copy(y_hbm.at[pl.ds(c * HN + r0, WRS)],
                              acc_sh.at[pl.ds(r0, WRS)], sem0).wait()

    plsc.subcore_barrier()
    tc = cnt_v[...][0]

    def start(j, buf, sem):
        pltpu.async_copy(y_hbm.at[src_v.at[j]], buf, sem)

    def finish(j, buf, sem):
        pltpu.make_async_copy(y_hbm.at[src_v.at[j]], buf, sem).wait()
        pltpu.sync_copy(buf, acc_sh.at[dst_v.at[j]], add=True)

    @pl.when(tc > 0)
    def _():
        start(0, buf0, sem0)

    @pl.loop(0, NCH, step=2)
    def _(j):
        @pl.when(j < tc)
        def _():
            @pl.when(j + 1 < tc)
            def _():
                start(j + 1, buf1, sem1)

            finish(j, buf0, sem0)

            @pl.when(j + 2 < tc)
            def _():
                start(j + 2, buf0, sem0)

            @pl.when(j + 1 < tc)
            def _():
                finish(j + 1, buf1, sem1)

    plsc.subcore_barrier()

    @pl.when(s < 8)
    def _():
        r0 = s * WRS
        pltpu.sync_copy(acc_sh.at[pl.ds(r0, WRS)], out_hbm.at[pl.ds(c * HN + r0, WRS)])


def _mm1_body(x_ref, w_ref, o_ref):
    o_ref[0:N] = jnp.dot(x_ref[...], w_ref[...], preferred_element_type=jnp.float32,
                         precision=lax.Precision.HIGHEST)
    o_ref[N:NP] = jnp.zeros((NP - N, D), jnp.float32)


def _scale_body(cnt_ref, xw_ref, dinv_ref, y_ref):
    deg = jnp.sum(cnt_ref[...], axis=1, keepdims=True) + 1.0
    dinv = lax.rsqrt(deg)
    dinv_ref[...] = dinv
    y_ref[...] = xw_ref[...] * dinv


def _mid_body(acc_ref, dinv_ref, b1_ref, w2_ref, y2_ref):
    dinv = dinv_ref[...]
    h = jnp.maximum(acc_ref[...] * dinv + b1_ref[...], 0.0)
    xw2 = jnp.dot(h, w2_ref[...], preferred_element_type=jnp.float32,
                  precision=lax.Precision.HIGHEST)
    y2_ref[...] = xw2 * dinv


def _final_body(acc_ref, dinv_ref, b2_ref, o_ref):
    z = acc_ref[...][:N] * dinv_ref[...][:N] + b2_ref[...]
    z = z - jnp.max(z, axis=1, keepdims=True)
    o_ref[...] = z - jnp.log(jnp.sum(jnp.exp(z), axis=1, keepdims=True))


def kernel(x, edge_index, W1, b1, W2, b2):
    src = edge_index[0].astype(jnp.int32)
    dst = edge_index[1].astype(jnp.int32)
    src_flat = jnp.concatenate([src, jnp.zeros((EP - E,), jnp.int32)])
    dst_flat = jnp.concatenate([dst, jnp.full((EP - E,), NP, jnp.int32)])
    src_flat = src_flat.reshape(NS, ECS)
    dst_flat = dst_flat.reshape(NS, ECS)

    osrc, odst, ocnt, odeg = _prep_kernel(src_flat, dst_flat)
    osrc = osrc.reshape(NC, NS, NCH, CHUNK)
    odst = odst.reshape(NC, NS, NCH, CHUNK)
    counts = jnp.transpose(odeg, (0, 2, 1)).reshape(NP, NS)

    xw1 = pl.pallas_call(
        _mm1_body,
        out_shape=jax.ShapeDtypeStruct((NP, D), jnp.float32),
    )(x, W1)

    dinv, y1 = pl.pallas_call(
        _scale_body,
        out_shape=(jax.ShapeDtypeStruct((NP, 1), jnp.float32),
                   jax.ShapeDtypeStruct((NP, D), jnp.float32)),
    )(counts, xw1)

    acc1 = _prop_kernel(y1, osrc, odst, ocnt)

    y2 = pl.pallas_call(
        _mid_body,
        out_shape=jax.ShapeDtypeStruct((NP, D), jnp.float32),
    )(acc1, dinv, b1.reshape(1, D), W2)

    acc2 = _prop_kernel(y2, osrc, odst, ocnt)

    return pl.pallas_call(
        _final_body,
        out_shape=jax.ShapeDtypeStruct((N, D), jnp.float32),
    )(acc2, dinv, b2.reshape(1, D))

# --- scband reference (transcript-rebuilt; emitter-appended) ---
"""Pipeline reference for scband-gcn-77008763617446 (READ-ONLY COPY).

The authoritative reference and input builder live on the scoring server;
editing this copy changes nothing except your own understanding.
"""

import jax, jax.numpy as jnp
import numpy as np

N_NODES = 10000
N_EDGES = 320000
D_IN = 128
D_HID = 128
D_OUT = 128


def setup_inputs(seed: int = 0) -> dict:
    key = jax.random.key(seed)
    k1, k2, k3, k4, k5, k6 = jax.random.split(key, 6)
    x = jax.random.normal(k1, (N_NODES, D_IN), dtype=jnp.float32)
    edge_index = jax.random.randint(k2, (2, N_EDGES), 0, N_NODES, dtype=jnp.int64)
    W1 = jax.random.normal(k3, (D_IN, D_HID), dtype=jnp.float32) * (1.0 / np.sqrt(D_IN))
    b1 = jnp.zeros((D_HID,), dtype=jnp.float32)
    W2 = jax.random.normal(k4, (D_HID, D_OUT), dtype=jnp.float32) * (1.0 / np.sqrt(D_HID))
    b2 = jnp.zeros((D_OUT,), dtype=jnp.float32)
    return {"x": x, "edge_index": edge_index, "W1": W1, "b1": b1, "W2": W2, "b2": b2}


def _gcn_conv(x, src, dst, W, b, num_nodes):
    # PyG GCNConv: x' = D^{-1/2} (A + I) D^{-1/2} X W + b  (self-loops already appended)
    xw = x @ W
    deg = jnp.zeros((num_nodes,), dtype=x.dtype).at[dst].add(jnp.ones_like(dst, dtype=x.dtype))
    dinv = jnp.where(deg > 0, 1.0 / jnp.sqrt(deg), 0.0)
    norm = dinv[src] * dinv[dst]
    msg = xw[src] * norm[:, None]
    out = jnp.zeros((num_nodes, xw.shape[1]), dtype=x.dtype).at[dst].add(msg)
    return out + b


def reference(x, edge_index, W1, b1, W2, b2):
    n = x.shape[0]
    loop = jnp.arange(n, dtype=edge_index.dtype)
    src = jnp.concatenate([edge_index[0], loop])
    dst = jnp.concatenate([edge_index[1], loop])
    h = _gcn_conv(x, src, dst, W1, b1, n)
    h = jax.nn.relu(h)
    # dropout is identity in eval / p-deterministic setting (dropout=0.0)
    h = _gcn_conv(h, src, dst, W2, b2, n)
    return jax.nn.log_softmax(h, axis=-1)

if __name__ == "__main__":
    import jax
    _d = setup_inputs()
    print(jax.jit(kernel)(*tuple(_d.values())))

</pallas_src>

<mosaic_0001>
#map = affine_map<(d0, d1) -> (0, 0)>
#map1 = affine_map<(d0, d1) -> (0, 0, 0, 0)>
#map2 = affine_map<(d0, d1) -> (0, 0, 0)>
module attributes {stable_mosaic.version = 14 : i64} {
  func.func @_prop_kernel(%arg0: i32, %arg1: i32, %arg2: memref<10112x128xf32, #tpu.memory_space<hbm>>, %arg3: memref<2x16x158x128xi32, #tpu.memory_space<hbm>>, %arg4: memref<2x16x158x128xi32, #tpu.memory_space<hbm>>, %arg5: memref<2x16x16xi32, #tpu.memory_space<hbm>>, %arg6: memref<10112x128xf32, #tpu.memory_space<hbm>>, %arg7: memref<158x128xi32, #tpu.memory_space<vmem>>, %arg8: memref<158x128xi32, #tpu.memory_space<vmem>>, %arg9: memref<128x128xf32, #tpu.memory_space<vmem>>, %arg10: memref<128x128xf32, #tpu.memory_space<vmem>>, %arg11: memref<6080x128xf32, #tpu.memory_space<vmem_shared>>, %arg12: memref<16xi32, #tpu.memory_space<vmem>>, %arg13: memref<!tpu.dma_semaphore, #tpu.memory_space<semaphore_mem>>, %arg14: memref<!tpu.dma_semaphore, #tpu.memory_space<semaphore_mem>>) attributes {dimension_semantics = [#tpu.dimension_semantics<core_parallel>, #tpu.dimension_semantics<subcore_parallel>], iteration_bounds = array<i64: 2, 16>, scalar_prefetch = 0 : i64, scratch_operands = 8 : i64, tpu.core_type = #tpu.core_type<sc_vector_subcore>, window_params = [{transform_indices = #map}, {transform_indices = #map1}, {transform_indices = #map1}, {transform_indices = #map2}, {transform_indices = #map}]} {
    %lt3A = arith.constant 8 : i32
    %lt3A_0 = arith.cmpi slt, %arg1, %lt3A : i32
    %convert_element_type3A = arith.extui %lt3A_0 : i1 to i32
    %cond3A = arith.constant 0 : i32
    %cond3A_1 = arith.cmpi ne, %convert_element_type3A, %cond3A : i32
    scf.if %cond3A_1 {
      %mul3A = arith.constant 632 : i32
      %mul3A_23 = arith.muli %arg1, %mul3A : i32
      %mul3A_24 = arith.constant 5056 : i32
      %mul3A_25 = arith.muli %arg0, %mul3A_24 : i32
      %add3A = arith.addi %mul3A_25, %mul3A_23 : i32
      %dma_start3A = arith.constant 0 : i32
      %dma_start3A_26 = tpu.memref_slice %arg11[%mul3A_23, %dma_start3A] : memref<6080x128xf32, #tpu.memory_space<vmem_shared>> -> memref<632x128xf32, #tpu.memory_space<vmem_shared>>
      %dma_start3A_27 = arith.constant 0 : i32
      %dma_start3A_28 = tpu.memref_slice %arg2[%add3A, %dma_start3A_27] : memref<10112x128xf32, #tpu.memory_space<hbm>> -> memref<632x128xf32, #tpu.memory_space<hbm>>
      tpu.enqueue_dma source(%dma_start3A_28 : memref<632x128xf32, #tpu.memory_space<hbm>>) target(%dma_start3A_26 : memref<632x128xf32, #tpu.memory_space<vmem_shared>>) target_semaphore(%arg13 : memref<!tpu.dma_semaphore, #tpu.memory_space<semaphore_mem>>)
    } else {
    }
    "tpu.region"() ({
      %run_scoped3A = tpu.sem_alloc : memref<!tpu.dma_semaphore, #tpu.memory_space<semaphore_mem>>
      %dma_start3A = arith.constant 0 : i32
      %dma_start3A_23 = arith.constant 0 : i32
      %dma_start3A_24 = tpu.memref_slice %arg3[%arg0, %arg1, %dma_start3A, %dma_start3A_23] : memref<2x16x158x128xi32, #tpu.memory_space<hbm>> -> memref<1x1x158x128xi32, #tpu.memory_space<hbm>>
      %dma_start3A_25 = tpu.memref_squeeze %dma_start3A_24 : memref<1x1x158x128xi32, #tpu.memory_space<hbm>> -> memref<158x128xi32, #tpu.memory_space<hbm>>
      %dma_start3A_26 = arith.constant 0 : i32
      %dma_start3A_27 = arith.constant 0 : i32
      %dma_start3A_28 = tpu.memref_slice %arg3[%arg0, %arg1, %dma_start3A_26, %dma_start3A_27] : memref<2x16x158x128xi32, #tpu.memory_space<hbm>> -> memref<1x1x158x128xi32, #tpu.memory_space<hbm>>
      %dma_start3A_29 = tpu.memref_squeeze %dma_start3A_28 : memref<1x1x158x128xi32, #tpu.memory_space<hbm>> -> memref<158x128xi32, #tpu.memory_space<hbm>>
      tpu.enqueue_dma source(%dma_start3A_29 : memref<158x128xi32, #tpu.memory_space<hbm>>) target(%arg7 : memref<158x128xi32, #tpu.memory_space<vmem>>) target_semaphore(%run_scoped3A : memref<!tpu.dma_semaphore, #tpu.memory_space<semaphore_mem>>)
      %dma_wait3A = arith.constant 0 : i32
      %dma_wait3A_30 = arith.constant 0 : i32
      %dma_wait3A_31 = tpu.memref_slice %arg3[%arg0, %arg1, %dma_wait3A, %dma_wait3A_30] : memref<2x16x158x128xi32, #tpu.memory_space<hbm>> -> memref<1x1x158x128xi32, #tpu.memory_space<hbm>>
      %dma_wait3A_32 = tpu.memref_squeeze %dma_wait3A_31 : memref<1x1x158x128xi32, #tpu.memory_space<hbm>> -> memref<158x128xi32, #tpu.memory_space<hbm>>
      %dma_wait3A_33 = arith.constant 0 : i32
      %dma_wait3A_34 = arith.constant 0 : i32
      %dma_wait3A_35 = tpu.memref_slice %arg3[%arg0, %arg1, %dma_wait3A_33, %dma_wait3A_34] : memref<2x16x158x128xi32, #tpu.memory_space<hbm>> -> memref<1x1x158x128xi32, #tpu.memory_space<hbm>>
      %dma_wait3A_36 = tpu.memref_squeeze %dma_wait3A_35 : memref<1x1x158x128xi32, #tpu.memory_space<hbm>> -> memref<158x128xi32, #tpu.memory_space<hbm>>
      tpu.wait_dma2 semaphore(%run_scoped3A : memref<!tpu.dma_semaphore, #tpu.memory_space<semaphore_mem>>) src(%dma_wait3A_36 : memref<158x128xi32, #tpu.memory_space<hbm>>) dst(%arg7 : memref<158x128xi32, #tpu.memory_space<vmem>>)
      tpu.yield
    }) : () -> ()
    "tpu.region"() ({
      %run_scoped3A = tpu.sem_alloc : memref<!tpu.dma_semaphore, #tpu.memory_space<semaphore_mem>>
      %dma_start3A = arith.constant 0 : i32
      %dma_start3A_23 = arith.constant 0 : i32
      %dma_start3A_24 = tpu.memref_slice %arg4[%arg0, %arg1, %dma_start3A, %dma_start3A_23] : memref<2x16x158x128xi32, #tpu.memory_space<hbm>> -> memref<1x1x158x128xi32, #tpu.memory_space<hbm>>
      %dma_start3A_25 = tpu.memref_squeeze %dma_start3A_24 : memref<1x1x158x128xi32, #tpu.memory_space<hbm>> -> memref<158x128xi32, #tpu.memory_space<hbm>>
      %dma_start3A_26 = arith.constant 0 : i32
      %dma_start3A_27 = arith.constant 0 : i32
      %dma_start3A_28 = tpu.memref_slice %arg4[%arg0, %arg1, %dma_start3A_26, %dma_start3A_27] : memref<2x16x158x128xi32, #tpu.memory_space<hbm>> -> memref<1x1x158x128xi32, #tpu.memory_space<hbm>>
      %dma_start3A_29 = tpu.memref_squeeze %dma_start3A_28 : memref<1x1x158x128xi32, #tpu.memory_space<hbm>> -> memref<158x128xi32, #tpu.memory_space<hbm>>
      tpu.enqueue_dma source(%dma_start3A_29 : memref<158x128xi32, #tpu.memory_space<hbm>>) target(%arg8 : memref<158x128xi32, #tpu.memory_space<vmem>>) target_semaphore(%run_scoped3A : memref<!tpu.dma_semaphore, #tpu.memory_space<semaphore_mem>>)
      %dma_wait3A = arith.constant 0 : i32
      %dma_wait3A_30 = arith.constant 0 : i32
      %dma_wait3A_31 = tpu.memref_slice %arg4[%arg0, %arg1, %dma_wait3A, %dma_wait3A_30] : memref<2x16x158x128xi32, #tpu.memory_space<hbm>> -> memref<1x1x158x128xi32, #tpu.memory_space<hbm>>
      %dma_wait3A_32 = tpu.memref_squeeze %dma_wait3A_31 : memref<1x1x158x128xi32, #tpu.memory_space<hbm>> -> memref<158x128xi32, #tpu.memory_space<hbm>>
      %dma_wait3A_33 = arith.constant 0 : i32
      %dma_wait3A_34 = arith.constant 0 : i32
      %dma_wait3A_35 = tpu.memref_slice %arg4[%arg0, %arg1, %dma_wait3A_33, %dma_wait3A_34] : memref<2x16x158x128xi32, #tpu.memory_space<hbm>> -> memref<1x1x158x128xi32, #tpu.memory_space<hbm>>
      %dma_wait3A_36 = tpu.memref_squeeze %dma_wait3A_35 : memref<1x1x158x128xi32, #tpu.memory_space<hbm>> -> memref<158x128xi32, #tpu.memory_space<hbm>>
      tpu.wait_dma2 semaphore(%run_scoped3A : memref<!tpu.dma_semaphore, #tpu.memory_space<semaphore_mem>>) src(%dma_wait3A_36 : memref<158x128xi32, #tpu.memory_space<hbm>>) dst(%arg8 : memref<158x128xi32, #tpu.memory_space<vmem>>)
      tpu.yield
    }) : () -> ()
    "tpu.region"() ({
      %run_scoped3A = tpu.sem_alloc : memref<!tpu.dma_semaphore, #tpu.memory_space<semaphore_mem>>
      %dma_start3A = arith.constant 0 : i32
      %dma_start3A_23 = tpu.memref_slice %arg5[%arg0, %arg1, %dma_start3A] : memref<2x16x16xi32, #tpu.memory_space<hbm>> -> memref<1x1x16xi32, #tpu.memory_space<hbm>>
      %dma_start3A_24 = tpu.memref_squeeze %dma_start3A_23 : memref<1x1x16xi32, #tpu.memory_space<hbm>> -> memref<16xi32, #tpu.memory_space<hbm>>
      %dma_start3A_25 = arith.constant 0 : i32
      %dma_start3A_26 = tpu.memref_slice %arg5[%arg0, %arg1, %dma_start3A_25] : memref<2x16x16xi32, #tpu.memory_space<hbm>> -> memref<1x1x16xi32, #tpu.memory_space<hbm>>
      %dma_start3A_27 = tpu.memref_squeeze %dma_start3A_26 : memref<1x1x16xi32, #tpu.memory_space<hbm>> -> memref<16xi32, #tpu.memory_space<hbm>>
      tpu.enqueue_dma source(%dma_start3A_27 : memref<16xi32, #tpu.memory_space<hbm>>) target(%arg12 : memref<16xi32, #tpu.memory_space<vmem>>) target_semaphore(%run_scoped3A : memref<!tpu.dma_semaphore, #tpu.memory_space<semaphore_mem>>)
      %dma_wait3A = arith.constant 0 : i32
      %dma_wait3A_28 = tpu.memref_slice %arg5[%arg0, %arg1, %dma_wait3A] : memref<2x16x16xi32, #tpu.memory_space<hbm>> -> memref<1x1x16xi32, #tpu.memory_space<hbm>>
      %dma_wait3A_29 = tpu.memref_squeeze %dma_wait3A_28 : memref<1x1x16xi32, #tpu.memory_space<hbm>> -> memref<16xi32, #tpu.memory_space<hbm>>
      %dma_wait3A_30 = arith.constant 0 : i32
      %dma_wait3A_31 = tpu.memref_slice %arg5[%arg0, %arg1, %dma_wait3A_30] : memref<2x16x16xi32, #tpu.memory_space<hbm>> -> memref<1x1x16xi32, #tpu.memory_space<hbm>>
      %dma_wait3A_32 = tpu.memref_squeeze %dma_wait3A_31 : memref<1x1x16xi32, #tpu.memory_space<hbm>> -> memref<16xi32, #tpu.memory_space<hbm>>
      tpu.wait_dma2 semaphore(%run_scoped3A : memref<!tpu.dma_semaphore, #tpu.memory_space<semaphore_mem>>) src(%dma_wait3A_32 : memref<16xi32, #tpu.memory_space<hbm>>) dst(%arg12 : memref<16xi32, #tpu.memory_space<vmem>>)
      tpu.yield
    }) : () -> ()
    %lt3A_2 = arith.constant 8 : i32
    %lt3A_3 = arith.cmpi slt, %arg1, %lt3A_2 : i32
    %convert_element_type3A_4 = arith.extui %lt3A_3 : i1 to i32
    %cond3A_5 = arith.constant 0 : i32
    %cond3A_6 = arith.cmpi ne, %convert_element_type3A_4, %cond3A_5 : i32
    scf.if %cond3A_6 {
      %mul3A = arith.constant 632 : i32
      %mul3A_23 = arith.muli %arg1, %mul3A : i32
      %mul3A_24 = arith.constant 5056 : i32
      %mul3A_25 = arith.muli %arg0, %mul3A_24 : i32
      %add3A = arith.addi %mul3A_25, %mul3A_23 : i32
      %dma_wait3A = arith.constant 0 : i32
      %dma_wait3A_26 = tpu.memref_slice %arg11[%mul3A_23, %dma_wait3A] : memref<6080x128xf32, #tpu.memory_space<vmem_shared>> -> memref<632x128xf32, #tpu.memory_space<vmem_shared>>
      %dma_wait3A_27 = arith.constant 0 : i32
      %dma_wait3A_28 = tpu.memref_slice %arg2[%add3A, %dma_wait3A_27] : memref<10112x128xf32, #tpu.memory_space<hbm>> -> memref<632x128xf32, #tpu.memory_space<hbm>>
      tpu.wait_dma2 semaphore(%arg13 : memref<!tpu.dma_semaphore, #tpu.memory_space<semaphore_mem>>) src(%dma_wait3A_28 : memref<632x128xf32, #tpu.memory_space<hbm>>) dst(%dma_wait3A_26 : memref<632x128xf32, #tpu.memory_space<vmem_shared>>)
    } else {
    }
    %barrier3A = arith.constant 0 : index
    tpu.barrier barrier_id(%barrier3A)
    %get3A = arith.constant 0 : index
    %get3A_7 = tpu.vector_load %arg12[%get3A] {strides = array<i32>} : memref<16xi32, #tpu.memory_space<vmem>>, vector<16xi32>,
    %get3A_8 = vector.shape_cast %get3A_7 : vector<16xi32> to vector<16xi32>
    %slice3A = vector.extract_strided_slice %get3A_8 {offsets = [0], sizes = [1], strides = [1]} : vector<16xi32> to vector<1xi32>
    %squeeze3A = vector.extract %slice3A[0] : i32 from vector<1xi32>
    %gt3A = arith.constant 0 : i32
    %gt3A_9 = arith.cmpi sgt, %squeeze3A, %gt3A : i32
    %convert_element_type3A_10 = arith.extui %gt3A_9 : i1 to i32
    %cond3A_11 = arith.constant 0 : i32
    %cond3A_12 = arith.cmpi ne, %convert_element_type3A_10, %cond3A_11 : i32
    scf.if %cond3A_12 {
      %dma_start3A = arith.constant 0 : i32
      %dma_start3A_23 = arith.constant 0 : i32
      %dma_start3A_24 = tpu.memref_slice %arg7[%dma_start3A, %dma_start3A_23] : memref<158x128xi32, #tpu.memory_space<vmem>> -> memref<1x128xi32, #tpu.memory_space<vmem>>
      %dma_start3A_25 = tpu.memref_squeeze %dma_start3A_24 : memref<1x128xi32, #tpu.memory_space<vmem>> -> memref<128xi32, #tpu.memory_space<vmem>>
      %dma_start3A_26 = arith.constant 0 : i32
      %dma_start3A_27 = arith.constant 0 : i32
      %dma_start3A_28 = tpu.memref_slice %arg2[%dma_start3A_26, %dma_start3A_27] : memref<10112x128xf32, #tpu.memory_space<hbm>> -> memref<10112x128xf32, #tpu.memory_space<hbm>>
      tpu.enqueue_indirect_dma source(%dma_start3A_28 : memref<10112x128xf32, #tpu.memory_space<hbm>>) target(%arg9 : memref<128x128xf32, #tpu.memory_space<vmem>>) offsets(%dma_start3A_25 : memref<128xi32, #tpu.memory_space<vmem>>) semaphore(%arg13 : memref<!tpu.dma_semaphore, #tpu.memory_space<semaphore_mem>>)
    } else {
    }
    %scan3A = arith.constant 0 : i32
    %scan3A_13 = arith.constant 79 : i32
    %scan3A_14 = arith.addi %scan3A, %scan3A_13 : i32
    %scan3A_15 = arith.constant 1 : i32
    scf.for %scan3A_23 = %scan3A to %scan3A_14 step %scan3A_15  : i32 {
      %mul3A = arith.constant 2 : i32
      %mul3A_24 = arith.muli %scan3A_23, %mul3A : i32
      %add3A = arith.constant 0 : i32
      %add3A_25 = arith.addi %add3A, %mul3A_24 : i32
      %lt3A_26 = arith.cmpi slt, %add3A_25, %squeeze3A : i32
      %convert_element_type3A_27 = arith.extui %lt3A_26 : i1 to i32
      %cond3A_28 = arith.constant 0 : i32
      %cond3A_29 = arith.cmpi ne, %convert_element_type3A_27, %cond3A_28 : i32
      scf.if %cond3A_29 {
        %add3A_30 = arith.constant 1 : i32
        %add3A_31 = arith.addi %add3A_25, %add3A_30 : i32
        %lt3A_32 = arith.cmpi slt, %add3A_31, %squeeze3A : i32
        %convert_element_type3A_33 = arith.extui %lt3A_32 : i1 to i32
        %cond3A_34 = arith.constant 0 : i32
        %cond3A_35 = arith.cmpi ne, %convert_element_type3A_33, %cond3A_34 : i32
        scf.if %cond3A_35 {
          %add3A_53 = arith.constant 1 : i32
          %add3A_54 = arith.addi %add3A_25, %add3A_53 : i32
          %dma_start3A = arith.constant 0 : i32
          %dma_start3A_55 = tpu.memref_slice %arg7[%add3A_54, %dma_start3A] : memref<158x128xi32, #tpu.memory_space<vmem>> -> memref<1x128xi32, #tpu.memory_space<vmem>>
          %dma_start3A_56 = tpu.memref_squeeze %dma_start3A_55 : memref<1x128xi32, #tpu.memory_space<vmem>> -> memref<128xi32, #tpu.memory_space<vmem>>
          %dma_start3A_57 = arith.constant 0 : i32
          %dma_start3A_58 = arith.constant 0 : i32
          %dma_start3A_59 = tpu.memref_slice %arg2[%dma_start3A_57, %dma_start3A_58] : memref<10112x128xf32, #tpu.memory_space<hbm>> -> memref<10112x128xf32, #tpu.memory_space<hbm>>
          tpu.enqueue_indirect_dma source(%dma_start3A_59 : memref<10112x128xf32, #tpu.memory_space<hbm>>) target(%arg10 : memref<128x128xf32, #tpu.memory_space<vmem>>) offsets(%dma_start3A_56 : memref<128xi32, #tpu.memory_space<vmem>>) semaphore(%arg14 : memref<!tpu.dma_semaphore, #tpu.memory_space<semaphore_mem>>)
        } else {
        }
        %dma_wait3A = arith.constant 0 : i32
        %dma_wait3A_36 = tpu.memref_slice %arg7[%add3A_25, %dma_wait3A] : memref<158x128xi32, #tpu.memory_space<vmem>> -> memref<1x128xi32, #tpu.memory_space<vmem>>
        %dma_wait3A_37 = tpu.memref_squeeze %dma_wait3A_36 : memref<1x128xi32, #tpu.memory_space<vmem>> -> memref<128xi32, #tpu.memory_space<vmem>>
        %dma_wait3A_38 = arith.constant 0 : i32
        %dma_wait3A_39 = arith.constant 0 : i32
        %dma_wait3A_40 = tpu.memref_slice %arg2[%dma_wait3A_38, %dma_wait3A_39] : memref<10112x128xf32, #tpu.memory_space<hbm>> -> memref<10112x128xf32, #tpu.memory_space<hbm>>
        tpu.wait_indirect_dma semaphore(%arg13 : memref<!tpu.dma_semaphore, #tpu.memory_space<semaphore_mem>>) src(%dma_wait3A_40 : memref<10112x128xf32, #tpu.memory_space<hbm>>) dst(%arg9 : memref<128x128xf32, #tpu.memory_space<vmem>>)
        "tpu.region"() ({
          %run_scoped3A = tpu.sem_alloc : memref<!tpu.dma_semaphore, #tpu.memory_space<semaphore_mem>>
          %dma_start3A = arith.constant 0 : i32
          %dma_start3A_53 = tpu.memref_slice %arg8[%add3A_25, %dma_start3A] : memref<158x128xi32, #tpu.memory_space<vmem>> -> memref<1x128xi32, #tpu.memory_space<vmem>>
          %dma_start3A_54 = tpu.memref_squeeze %dma_start3A_53 : memref<1x128xi32, #tpu.memory_space<vmem>> -> memref<128xi32, #tpu.memory_space<vmem>>
          %dma_start3A_55 = arith.constant 0 : i32
          %dma_start3A_56 = arith.constant 0 : i32
          %dma_start3A_57 = tpu.memref_slice %arg11[%dma_start3A_55, %dma_start3A_56] : memref<6080x128xf32, #tpu.memory_space<vmem_shared>> -> memref<6080x128xf32, #tpu.memory_space<vmem_shared>>
          tpu.enqueue_indirect_dma source(%arg9 : memref<128x128xf32, #tpu.memory_space<vmem>>) target(%dma_start3A_57 : memref<6080x128xf32, #tpu.memory_space<vmem_shared>>) offsets(%dma_start3A_54 : memref<128xi32, #tpu.memory_space<vmem>>) semaphore(%run_scoped3A : memref<!tpu.dma_semaphore, #tpu.memory_space<semaphore_mem>>) {add = true}
          %dma_wait3A_58 = arith.constant 0 : i32
          %dma_wait3A_59 = tpu.memref_slice %arg8[%add3A_25, %dma_wait3A_58] : memref<158x128xi32, #tpu.memory_space<vmem>> -> memref<1x128xi32, #tpu.memory_space<vmem>>
          %dma_wait3A_60 = tpu.memref_squeeze %dma_wait3A_59 : memref<1x128xi32, #tpu.memory_space<vmem>> -> memref<128xi32, #tpu.memory_space<vmem>>
          %dma_wait3A_61 = arith.constant 0 : i32
          %dma_wait3A_62 = arith.constant 0 : i32
          %dma_wait3A_63 = tpu.memref_slice %arg11[%dma_wait3A_61, %dma_wait3A_62] : memref<6080x128xf32, #tpu.memory_space<vmem_shared>> -> memref<6080x128xf32, #tpu.memory_space<vmem_shared>>
          tpu.wait_indirect_dma semaphore(%run_scoped3A : memref<!tpu.dma_semaphore, #tpu.memory_space<semaphore_mem>>) src(%arg9 : memref<128x128xf32, #tpu.memory_space<vmem>>) dst(%dma_wait3A_63 : memref<6080x128xf32, #tpu.memory_space<vmem_shared>>)
          tpu.yield
        }) : () -> ()
        %add3A_41 = arith.constant 2 : i32
        %add3A_42 = arith.addi %add3A_25, %add3A_41 : i32
        %lt3A_43 = arith.cmpi slt, %add3A_42, %squeeze3A : i32
        %convert_element_type3A_44 = arith.extui %lt3A_43 : i1 to i32
        %cond3A_45 = arith.constant 0 : i32
        %cond3A_46 = arith.cmpi ne, %convert_element_type3A_44, %cond3A_45 : i32
        scf.if %cond3A_46 {
          %add3A_53 = arith.constant 2 : i32
          %add3A_54 = arith.addi %add3A_25, %add3A_53 : i32
          %dma_start3A = arith.constant 0 : i32
          %dma_start3A_55 = tpu.memref_slice %arg7[%add3A_54, %dma_start3A] : memref<158x128xi32, #tpu.memory_space<vmem>> -> memref<1x128xi32, #tpu.memory_space<vmem>>
          %dma_start3A_56 = tpu.memref_squeeze %dma_start3A_55 : memref<1x128xi32, #tpu.memory_space<vmem>> -> memref<128xi32, #tpu.memory_space<vmem>>
          %dma_start3A_57 = arith.constant 0 : i32
          %dma_start3A_58 = arith.constant 0 : i32
          %dma_start3A_59 = tpu.memref_slice %arg2[%dma_start3A_57, %dma_start3A_58] : memref<10112x128xf32, #tpu.memory_space<hbm>> -> memref<10112x128xf32, #tpu.memory_space<hbm>>
          tpu.enqueue_indirect_dma source(%dma_start3A_59 : memref<10112x128xf32, #tpu.memory_space<hbm>>) target(%arg9 : memref<128x128xf32, #tpu.memory_space<vmem>>) offsets(%dma_start3A_56 : memref<128xi32, #tpu.memory_space<vmem>>) semaphore(%arg13 : memref<!tpu.dma_semaphore, #tpu.memory_space<semaphore_mem>>)
        } else {
        }
        %add3A_47 = arith.constant 1 : i32
        %add3A_48 = arith.addi %add3A_25, %add3A_47 : i32
        %lt3A_49 = arith.cmpi slt, %add3A_48, %squeeze3A : i32
        %convert_element_type3A_50 = arith.extui %lt3A_49 : i1 to i32
        %cond3A_51 = arith.constant 0 : i32
        %cond3A_52 = arith.cmpi ne, %convert_element_type3A_50, %cond3A_51 : i32
        scf.if %cond3A_52 {
          %add3A_53 = arith.constant 1 : i32
          %add3A_54 = arith.addi %add3A_25, %add3A_53 : i32
          %dma_wait3A_55 = arith.constant 0 : i32
          %dma_wait3A_56 = tpu.memref_slice %arg7[%add3A_54, %dma_wait3A_55] : memref<158x128xi32, #tpu.memory_space<vmem>> -> memref<1x128xi32, #tpu.memory_space<vmem>>
          %dma_wait3A_57 = tpu.memref_squeeze %dma_wait3A_56 : memref<1x128xi32, #tpu.memory_space<vmem>> -> memref<128xi32, #tpu.memory_space<vmem>>
          %dma_wait3A_58 = arith.constant 0 : i32
          %dma_wait3A_59 = arith.constant 0 : i32
          %dma_wait3A_60 = tpu.memref_slice %arg2[%dma_wait3A_58, %dma_wait3A_59] : memref<10112x128xf32, #tpu.memory_space<hbm>> -> memref<10112x128xf32, #tpu.memory_space<hbm>>
          tpu.wait_indirect_dma semaphore(%arg14 : memref<!tpu.dma_semaphore, #tpu.memory_space<semaphore_mem>>) src(%dma_wait3A_60 : memref<10112x128xf32, #tpu.memory_space<hbm>>) dst(%arg10 : memref<128x128xf32, #tpu.memory_space<vmem>>)
          "tpu.region"() ({
            %run_scoped3A = tpu.sem_alloc : memref<!tpu.dma_semaphore, #tpu.memory_space<semaphore_mem>>
            %dma_start3A = arith.constant 0 : i32
            %dma_start3A_61 = tpu.memref_slice %arg8[%add3A_54, %dma_start3A] : memref<158x128xi32, #tpu.memory_space<vmem>> -> memref<1x128xi32, #tpu.memory_space<vmem>>
            %dma_start3A_62 = tpu.memref_squeeze %dma_start3A_61 : memref<1x128xi32, #tpu.memory_space<vmem>> -> memref<128xi32, #tpu.memory_space<vmem>>
            %dma_start3A_63 = arith.constant 0 : i32
            %dma_start3A_64 = arith.constant 0 : i32
            %dma_start3A_65 = tpu.memref_slice %arg11[%dma_start3A_63, %dma_start3A_64] : memref<6080x128xf32, #tpu.memory_space<vmem_shared>> -> memref<6080x128xf32, #tpu.memory_space<vmem_shared>>
            tpu.enqueue_indirect_dma source(%arg10 : memref<128x128xf32, #tpu.memory_space<vmem>>) target(%dma_start3A_65 : memref<6080x128xf32, #tpu.memory_space<vmem_shared>>) offsets(%dma_start3A_62 : memref<128xi32, #tpu.memory_space<vmem>>) semaphore(%run_scoped3A : memref<!tpu.dma_semaphore, #tpu.memory_space<semaphore_mem>>) {add = true}
            %dma_wait3A_66 = arith.constant 0 : i32
            %dma_wait3A_67 = tpu.memref_slice %arg8[%add3A_54, %dma_wait3A_66] : memref<158x128xi32, #tpu.memory_space<vmem>> -> memref<1x128xi32, #tpu.memory_space<vmem>>
            %dma_wait3A_68 = tpu.memref_squeeze %dma_wait3A_67 : memref<1x128xi32, #tpu.memory_space<vmem>> -> memref<128xi32, #tpu.memory_space<vmem>>
            %dma_wait3A_69 = arith.constant 0 : i32
            %dma_wait3A_70 = arith.constant 0 : i32
            %dma_wait3A_71 = tpu.memref_slice %arg11[%dma_wait3A_69, %dma_wait3A_70] : memref<6080x128xf32, #tpu.memory_space<vmem_shared>> -> memref<6080x128xf32, #tpu.memory_space<vmem_shared>>
            tpu.wait_indirect_dma semaphore(%run_scoped3A : memref<!tpu.dma_semaphore, #tpu.memory_space<semaphore_mem>>) src(%arg10 : memref<128x128xf32, #tpu.memory_space<vmem>>) dst(%dma_wait3A_71 : memref<6080x128xf32, #tpu.memory_space<vmem_shared>>)
            tpu.yield
          }) : () -> ()
        } else {
        }
      } else {
      }
    }
    %scan3A_16 = arith.constant 79 : i32
    %barrier3A_17 = arith.constant 0 : index
    tpu.barrier barrier_id(%barrier3A_17)
    %lt3A_18 = arith.constant 8 : i32
    %lt3A_19 = arith.cmpi slt, %arg1, %lt3A_18 : i32
    %convert_element_type3A_20 = arith.extui %lt3A_19 : i1 to i32
    %cond3A_21 = arith.constant 0 : i32
    %cond3A_22 = arith.cmpi ne, %convert_element_type3A_20, %cond3A_21 : i32
    scf.if %cond3A_22 {
      %mul3A = arith.constant 632 : i32
      %mul3A_23 = arith.muli %arg1, %mul3A : i32
      %mul3A_24 = arith.constant 5056 : i32
      %mul3A_25 = arith.muli %arg0, %mul3A_24 : i32
      %add3A = arith.addi %mul3A_25, %mul3A_23 : i32
      "tpu.region"() ({
        %run_scoped3A = tpu.sem_alloc : memref<!tpu.dma_semaphore, #tpu.memory_space<semaphore_mem>>
        %dma_start3A = arith.constant 0 : i32
        %dma_start3A_26 = tpu.memref_slice %arg6[%add3A, %dma_start3A] : memref<10112x128xf32, #tpu.memory_space<hbm>> -> memref<632x128xf32, #tpu.memory_space<hbm>>
        %dma_start3A_27 = arith.constant 0 : i32
        %dma_start3A_28 = tpu.memref_slice %arg11[%mul3A_23, %dma_start3A_27] : memref<6080x128xf32, #tpu.memory_space<vmem_shared>> -> memref<632x128xf32, #tpu.memory_space<vmem_shared>>
        tpu.enqueue_dma source(%dma_start3A_28 : memref<632x128xf32, #tpu.memory_space<vmem_shared>>) target(%dma_start3A_26 : memref<632x128xf32, #tpu.memory_space<hbm>>) target_semaphore(%run_scoped3A : memref<!tpu.dma_semaphore, #tpu.memory_space<semaphore_mem>>)
        %dma_wait3A = arith.constant 0 : i32
        %dma_wait3A_29 = tpu.memref_slice %arg6[%add3A, %dma_wait3A] : memref<10112x128xf32, #tpu.memory_space<hbm>> -> memref<632x128xf32, #tpu.memory_space<hbm>>
        %dma_wait3A_30 = arith.constant 0 : i32
        %dma_wait3A_31 = tpu.memref_slice %arg11[%mul3A_23, %dma_wait3A_30] : memref<6080x128xf32, #tpu.memory_space<vmem_shared>> -> memref<632x128xf32, #tpu.memory_space<vmem_shared>>
        tpu.wait_dma2 semaphore(%run_scoped3A : memref<!tpu.dma_semaphore, #tpu.memory_space<semaphore_mem>>) src(%dma_wait3A_31 : memref<632x128xf32, #tpu.memory_space<vmem_shared>>) dst(%dma_wait3A_29 : memref<632x128xf32, #tpu.memory_space<hbm>>)
        tpu.yield
      }) : () -> ()
    } else {
    }
    return
  }
}

#map = affine_map<(d0, d1) -> (0, 0)>
#map1 = affine_map<(d0, d1) -> (0, 0, 0)>
module attributes {stable_mosaic.version = 14 : i64} {
  func.func @_prep_kernel(%arg0: i32, %arg1: i32, %arg2: memref<16x20224xi32, #tpu.memory_space<hbm>>, %arg3: memref<16x20224xi32, #tpu.memory_space<hbm>>, %arg4: memref<2x16x20224xi32, #tpu.memory_space<hbm>>, %arg5: memref<2x16x20224xi32, #tpu.memory_space<hbm>>, %arg6: memref<2x16x16xi32, #tpu.memory_space<hbm>>, %arg7: memref<2x16x5056xf32, #tpu.memory_space<hbm>>, %arg8: memref<20224xi32, #tpu.memory_space<vmem>>, %arg9: memref<20224xi32, #tpu.memory_space<vmem>>, %arg10: memref<20240xi32, #tpu.memory_space<vmem>>, %arg11: memref<20240xi32, #tpu.memory_space<vmem>>, %arg12: memref<5056xf32, #tpu.memory_space<vmem>>, %arg13: memref<16xi32, #tpu.memory_space<vmem>>, %arg14: memref<!tpu.dma_semaphore, #tpu.memory_space<semaphore_mem>>) attributes {dimension_semantics = [#tpu.dimension_semantics<core_parallel>, #tpu.dimension_semantics<subcore_parallel>], iteration_bounds = array<i64: 2, 16>, scalar_prefetch = 0 : i64, scratch_operands = 7 : i64, tpu.core_type = #tpu.core_type<sc_vector_subcore>, window_params = [{transform_indices = #map}, {transform_indices = #map}, {transform_indices = #map1}, {transform_indices = #map1}, {transform_indices = #map1}, {transform_indices = #map1}]} {
    %mul3A = arith.constant 5056 : i32
    %mul3A_0 = arith.muli %arg0, %mul3A : i32
    "tpu.region"() ({
      %run_scoped3A = tpu.sem_alloc : memref<!tpu.dma_semaphore, #tpu.memory_space<semaphore_mem>>
      %dma_start3A_32 = arith.constant 0 : i32
      %dma_start3A_33 = tpu.memref_slice %arg2[%arg1, %dma_start3A_32] : memref<16x20224xi32, #tpu.memory_space<hbm>> -> memref<1x20224xi32, #tpu.memory_space<hbm>>
      %dma_start3A_34 = tpu.memref_squeeze %dma_start3A_33 : memref<1x20224xi32, #tpu.memory_space<hbm>> -> memref<20224xi32, #tpu.memory_space<hbm>>
      %dma_start3A_35 = arith.constant 0 : i32
      %dma_start3A_36 = tpu.memref_slice %arg2[%arg1, %dma_start3A_35] : memref<16x20224xi32, #tpu.memory_space<hbm>> -> memref<1x20224xi32, #tpu.memory_space<hbm>>
      %dma_start3A_37 = tpu.memref_squeeze %dma_start3A_36 : memref<1x20224xi32, #tpu.memory_space<hbm>> -> memref<20224xi32, #tpu.memory_space<hbm>>
      tpu.enqueue_dma source(%dma_start3A_37 : memref<20224xi32, #tpu.memory_space<hbm>>) target(%arg8 : memref<20224xi32, #tpu.memory_space<vmem>>) target_semaphore(%run_scoped3A : memref<!tpu.dma_semaphore, #tpu.memory_space<semaphore_mem>>)
      %dma_wait3A_38 = arith.constant 0 : i32
      %dma_wait3A_39 = tpu.memref_slice %arg2[%arg1, %dma_wait3A_38] : memref<16x20224xi32, #tpu.memory_space<hbm>> -> memref<1x20224xi32, #tpu.memory_space<hbm>>
      %dma_wait3A_40 = tpu.memref_squeeze %dma_wait3A_39 : memref<1x20224xi32, #tpu.memory_space<hbm>> -> memref<20224xi32, #tpu.memory_space<hbm>>
      %dma_wait3A_41 = arith.constant 0 : i32
      %dma_wait3A_42 = tpu.memref_slice %arg2[%arg1, %dma_wait3A_41] : memref<16x20224xi32, #tpu.memory_space<hbm>> -> memref<1x20224xi32, #tpu.memory_space<hbm>>
      %dma_wait3A_43 = tpu.memref_squeeze %dma_wait3A_42 : memref<1x20224xi32, #tpu.memory_space<hbm>> -> memref<20224xi32, #tpu.memory_space<hbm>>
      tpu.wait_dma2 semaphore(%run_scoped3A : memref<!tpu.dma_semaphore, #tpu.memory_space<semaphore_mem>>) src(%dma_wait3A_43 : memref<20224xi32, #tpu.memory_space<hbm>>) dst(%arg8 : memref<20224xi32, #tpu.memory_space<vmem>>)
      tpu.yield
    }) : () -> ()
    "tpu.region"() ({
      %run_scoped3A = tpu.sem_alloc : memref<!tpu.dma_semaphore, #tpu.memory_space<semaphore_mem>>
      %dma_start3A_32 = arith.constant 0 : i32
      %dma_start3A_33 = tpu.memref_slice %arg3[%arg1, %dma_start3A_32] : memref<16x20224xi32, #tpu.memory_space<hbm>> -> memref<1x20224xi32, #tpu.memory_space<hbm>>
      %dma_start3A_34 = tpu.memref_squeeze %dma_start3A_33 : memref<1x20224xi32, #tpu.memory_space<hbm>> -> memref<20224xi32, #tpu.memory_space<hbm>>
      %dma_start3A_35 = arith.constant 0 : i32
      %dma_start3A_36 = tpu.memref_slice %arg3[%arg1, %dma_start3A_35] : memref<16x20224xi32, #tpu.memory_space<hbm>> -> memref<1x20224xi32, #tpu.memory_space<hbm>>
      %dma_start3A_37 = tpu.memref_squeeze %dma_start3A_36 : memref<1x20224xi32, #tpu.memory_space<hbm>> -> memref<20224xi32, #tpu.memory_space<hbm>>
      tpu.enqueue_dma source(%dma_start3A_37 : memref<20224xi32, #tpu.memory_space<hbm>>) target(%arg9 : memref<20224xi32, #tpu.memory_space<vmem>>) target_semaphore(%run_scoped3A : memref<!tpu.dma_semaphore, #tpu.memory_space<semaphore_mem>>)
      %dma_wait3A_38 = arith.constant 0 : i32
      %dma_wait3A_39 = tpu.memref_slice %arg3[%arg1, %dma_wait3A_38] : memref<16x20224xi32, #tpu.memory_space<hbm>> -> memref<1x20224xi32, #tpu.memory_space<hbm>>
      %dma_wait3A_40 = tpu.memref_squeeze %dma_wait3A_39 : memref<1x20224xi32, #tpu.memory_space<hbm>> -> memref<20224xi32, #tpu.memory_space<hbm>>
      %dma_wait3A_41 = arith.constant 0 : i32
      %dma_wait3A_42 = tpu.memref_slice %arg3[%arg1, %dma_wait3A_41] : memref<16x20224xi32, #tpu.memory_space<hbm>> -> memref<1x20224xi32, #tpu.memory_space<hbm>>
      %dma_wait3A_43 = tpu.memref_squeeze %dma_wait3A_42 : memref<1x20224xi32, #tpu.memory_space<hbm>> -> memref<20224xi32, #tpu.memory_space<hbm>>
      tpu.wait_dma2 semaphore(%run_scoped3A : memref<!tpu.dma_semaphore, #tpu.memory_space<semaphore_mem>>) src(%dma_wait3A_43 : memref<20224xi32, #tpu.memory_space<hbm>>) dst(%arg9 : memref<20224xi32, #tpu.memory_space<vmem>>)
      tpu.yield
    }) : () -> ()
    %iota3A = tpu.iota {dimensions = array<i32: 0>} : vector<16xi32>
    %broadcast_in_dim3A = arith.constant 1.000000e+00 : f32
    %broadcast_in_dim3A_1 = vector.broadcast %broadcast_in_dim3A : f32 to vector<16xf32>
    %scan3A = arith.constant 0 : i32
    %scan3A_2 = arith.constant 1265 : i32
    %scan3A_3 = arith.addi %scan3A, %scan3A_2 : i32
    %scan3A_4 = arith.constant 1 : i32
    scf.for %scan3A_32 = %scan3A to %scan3A_3 step %scan3A_4  : i32 {
      %mul3A_33 = arith.constant 16 : i32
      %mul3A_34 = arith.muli %scan3A_32, %mul3A_33 : i32
      %add3A_35 = arith.constant 0 : i32
      %add3A_36 = arith.addi %add3A_35, %mul3A_34 : i32
      %add3A_37 = vector.broadcast %add3A_36 : i32 to vector<16xi32>
      %add3A_38 = arith.addi %iota3A, %add3A_37 : vector<16xi32>
      %and3A = arith.constant 8191 : i32
      %and3A_39 = vector.broadcast %and3A : i32 to vector<16xi32>
      %and3A_40 = arith.andi %add3A_38, %and3A_39 : vector<16xi32>
      %swap3A_41 = arith.index_cast %add3A_36 : i32 to index
      %swap3A_42 = tpu.vector_load %arg10[%swap3A_41] {strides = array<i32>} : memref<20240xi32, #tpu.memory_space<vmem>>, vector<16xi32>,
      tpu.vector_store %arg10[%swap3A_41], %and3A_40 {strides = array<i32>} : memref<20240xi32, #tpu.memory_space<vmem>>, vector<16xi32>,
      %and3A_43 = arith.constant 1023 : i32
      %and3A_44 = vector.broadcast %and3A_43 : i32 to vector<16xi32>
      %and3A_45 = arith.andi %add3A_38, %and3A_44 : vector<16xi32>
      %add3A_46 = arith.constant 5056 : i32
      %add3A_47 = vector.broadcast %add3A_46 : i32 to vector<16xi32>
      %add3A_48 = arith.addi %add3A_47, %and3A_45 : vector<16xi32>
      %swap3A_49 = arith.index_cast %add3A_36 : i32 to index
      %swap3A_50 = tpu.vector_load %arg11[%swap3A_49] {strides = array<i32>} : memref<20240xi32, #tpu.memory_space<vmem>>, vector<16xi32>,
      tpu.vector_store %arg11[%swap3A_49], %add3A_48 {strides = array<i32>} : memref<20240xi32, #tpu.memory_space<vmem>>, vector<16xi32>,
    }
    %scan3A_5 = arith.constant 1265 : i32
    %scan3A_6 = arith.constant 0 : i32
    %scan3A_7 = arith.constant 316 : i32
    %scan3A_8 = arith.addi %scan3A_6, %scan3A_7 : i32
    %scan3A_9 = arith.constant 1 : i32
    scf.for %scan3A_32 = %scan3A_6 to %scan3A_8 step %scan3A_9  : i32 {
      %mul3A_33 = arith.constant 16 : i32
      %mul3A_34 = arith.muli %scan3A_32, %mul3A_33 : i32
      %add3A_35 = arith.constant 0 : i32
      %add3A_36 = arith.addi %add3A_35, %mul3A_34 : i32
      %broadcast_in_dim3A_37 = arith.constant 0.000000e+00 : f32
      %broadcast_in_dim3A_38 = vector.broadcast %broadcast_in_dim3A_37 : f32 to vector<16xf32>
      %swap3A_39 = arith.index_cast %add3A_36 : i32 to index
      %swap3A_40 = tpu.vector_load %arg12[%swap3A_39] {strides = array<i32>} : memref<5056xf32, #tpu.memory_space<vmem>>, vector<16xf32>,
      tpu.vector_store %arg12[%swap3A_39], %broadcast_in_dim3A_38 {strides = array<i32>} : memref<5056xf32, #tpu.memory_space<vmem>>, vector<16xf32>,
    }
    %scan3A_10 = arith.constant 316 : i32
    %scan3A_11 = arith.constant 0 : i32
    %scan3A_12 = arith.constant 0 : i32
    %scan3A_13 = arith.constant 1264 : i32
    %scan3A_14 = arith.addi %scan3A_12, %scan3A_13 : i32
    %scan3A_15 = arith.constant 1 : i32
    %scan3A_16 = scf.for %scan3A_32 = %scan3A_12 to %scan3A_14 step %scan3A_15 iter_args(%scan3A_33 = %scan3A_11) -> (i32)  : i32 {
      %mul3A_34 = arith.constant 16 : i32
      %mul3A_35 = arith.muli %scan3A_32, %mul3A_34 : i32
      %get3A = arith.index_cast %mul3A_35 : i32 to index
      %get3A_36 = tpu.vector_load %arg9[%get3A] {strides = array<i32>} : memref<20224xi32, #tpu.memory_space<vmem>>, vector<16xi32>,
      %mul3A_37 = arith.constant 16 : i32
      %mul3A_38 = arith.muli %scan3A_32, %mul3A_37 : i32
      %get3A_39 = arith.index_cast %mul3A_38 : i32 to index
      %get3A_40 = tpu.vector_load %arg8[%get3A_39] {strides = array<i32>} : memref<20224xi32, #tpu.memory_space<vmem>>, vector<16xi32>,
      %ge3A = vector.broadcast %mul3A_0 : i32 to vector<16xi32>
      %ge3A_41 = arith.cmpi sge, %get3A_36, %ge3A : vector<16xi32>
      %add3A_42 = arith.constant 5056 : i32
      %add3A_43 = arith.addi %mul3A_0, %add3A_42 : i32
      %lt3A = vector.broadcast %add3A_43 : i32 to vector<16xi32>
      %lt3A_44 = arith.cmpi slt, %get3A_36, %lt3A : vector<16xi32>
      %and3A = arith.andi %ge3A_41, %lt3A_44 : vector<16xi1>
      %sub3A = vector.broadcast %mul3A_0 : i32 to vector<16xi32>
      %sub3A_45 = arith.subi %get3A_36, %sub3A : vector<16xi32>
      %jit3A = arith.constant 0 : i32
      %broadcast_in_dim3A_46 = vector.broadcast %jit3A : i32 to vector<16xi32>
      %select_n3A = arith.select %and3A, %sub3A_45, %broadcast_in_dim3A_46 : vector<16xi1>, vector<16xi32>
      %jit3A_47 = arith.constant 1 : i32
      %jit3A_48 = arith.constant 0 : i32
      %broadcast_in_dim3A_49 = vector.broadcast %jit3A_47 : i32 to vector<16xi32>
      %broadcast_in_dim3A_50 = vector.broadcast %jit3A_48 : i32 to vector<16xi32>
      %select_n3A_51 = arith.select %and3A, %broadcast_in_dim3A_49, %broadcast_in_dim3A_50 : vector<16xi1>, vector<16xi32>
      %broadcast_in_dim3A_52 = arith.constant true
      %broadcast_in_dim3A_53 = vector.broadcast %broadcast_in_dim3A_52 : i1 to vector<16xi1>
      %masked_cumsum3A = tpu.scan <sum>, %select_n3A_51 masked %broadcast_in_dim3A_53 : vector<16xi32>, vector<16xi1> -> vector<16xi32>
      %add3A_54 = vector.broadcast %scan3A_33 : i32 to vector<16xi32>
      %add3A_55 = arith.addi %add3A_54, %masked_cumsum3A : vector<16xi32>
      %sub3A_56 = arith.constant 1 : i32
      %sub3A_57 = vector.broadcast %sub3A_56 : i32 to vector<16xi32>
      %sub3A_58 = arith.subi %add3A_55, %sub3A_57 : vector<16xi32>
      %jit3A_59 = arith.constant 0 : i32
      %broadcast_in_dim3A_60 = vector.broadcast %jit3A_59 : i32 to vector<16xi32>
      %select_n3A_61 = arith.select %and3A, %sub3A_58, %broadcast_in_dim3A_60 : vector<16xi1>, vector<16xi32>
      tpu.vector_store_idx %arg10[%select_n3A_61], %get3A_40 masked %and3A : memref<20240xi32, #tpu.memory_space<vmem>>[vector<16xi32>], vector<16xi32>, vector<16xi1>
      tpu.vector_store_idx %arg11[%select_n3A_61], %select_n3A masked %and3A : memref<20240xi32, #tpu.memory_space<vmem>>[vector<16xi32>], vector<16xi32>, vector<16xi1>
      tpu.vector_store_idx %arg12[%select_n3A], %broadcast_in_dim3A_1 masked %and3A {add = true} : memref<5056xf32, #tpu.memory_space<vmem>>[vector<16xi32>], vector<16xf32>, vector<16xi1>
      %reduce_max3A = arith.constant true
      %reduce_max3A_62 = vector.broadcast %reduce_max3A : i1 to vector<16xi1>
      %reduce_max3A_63 = arith.constant -2147483648 : i32
      %reduce_max3A_64 = vector.broadcast %reduce_max3A_63 : i32 to vector<16xi32>
      %reduce_max3A_65 = arith.xori %masked_cumsum3A, %reduce_max3A_64 : vector<16xi32>
      %reduce_max3A_66 = tpu.scan <max>, %reduce_max3A_65 masked %reduce_max3A_62 : vector<16xi32>, vector<16xi1> -> vector<16xi32>
      %reduce_max3A_67 = arith.xori %reduce_max3A_66, %reduce_max3A_64 : vector<16xi32>
      %reduce_max3A_68 = vector.extract %reduce_max3A_67[15] : i32 from vector<16xi32>
      %add3A_69 = arith.addi %scan3A_33, %reduce_max3A_68 : i32
      scf.yield %add3A_69 : i32
    }
    %scan3A_17 = arith.constant 1264 : i32
    %add3A = arith.constant 127 : i32
    %add3A_18 = arith.addi %scan3A_16, %add3A : i32
    %shift_right_arithmetic3A = arith.constant 7 : i32
    %shift_right_arithmetic3A_19 = arith.shrsi %add3A_18, %shift_right_arithmetic3A : i32
    %broadcast_in_dim3A_20 = vector.broadcast %shift_right_arithmetic3A_19 : i32 to vector<16xi32>
    %swap3A = arith.constant 0 : index
    %swap3A_21 = tpu.vector_load %arg13[%swap3A] {strides = array<i32>} : memref<16xi32, #tpu.memory_space<vmem>>, vector<16xi32>,
    tpu.vector_store %arg13[%swap3A], %broadcast_in_dim3A_20 {strides = array<i32>} : memref<16xi32, #tpu.memory_space<vmem>>, vector<16xi32>,
    %dma_start3A = arith.constant 0 : i32
    %dma_start3A_22 = tpu.memref_slice %arg6[%arg0, %arg1, %dma_start3A] : memref<2x16x16xi32, #tpu.memory_space<hbm>> -> memref<1x1x16xi32, #tpu.memory_space<hbm>>
    %dma_start3A_23 = tpu.memref_squeeze %dma_start3A_22 : memref<1x1x16xi32, #tpu.memory_space<hbm>> -> memref<16xi32, #tpu.memory_space<hbm>>
    %dma_start3A_24 = arith.constant 0 : i32
    %dma_start3A_25 = tpu.memref_slice %arg6[%arg0, %arg1, %dma_start3A_24] : memref<2x16x16xi32, #tpu.memory_space<hbm>> -> memref<1x1x16xi32, #tpu.memory_space<hbm>>
    %dma_start3A_26 = tpu.memref_squeeze %dma_start3A_25 : memref<1x1x16xi32, #tpu.memory_space<hbm>> -> memref<16xi32, #tpu.memory_space<hbm>>
    tpu.enqueue_dma source(%arg13 : memref<16xi32, #tpu.memory_space<vmem>>) target(%dma_start3A_26 : memref<16xi32, #tpu.memory_space<hbm>>) target_semaphore(%arg14 : memref<!tpu.dma_semaphore, #tpu.memory_space<semaphore_mem>>)
    "tpu.region"() ({
      %run_scoped3A = tpu.sem_alloc : memref<!tpu.dma_semaphore, #tpu.memory_space<semaphore_mem>>
      %dma_start3A_32 = arith.constant 0 : i32
      %dma_start3A_33 = tpu.memref_slice %arg10[%dma_start3A_32] : memref<20240xi32, #tpu.memory_space<vmem>> -> memref<20224xi32, #tpu.memory_space<vmem>>
      %dma_start3A_34 = arith.constant 0 : i32
      %dma_start3A_35 = tpu.memref_slice %arg4[%arg0, %arg1, %dma_start3A_34] : memref<2x16x20224xi32, #tpu.memory_space<hbm>> -> memref<1x1x20224xi32, #tpu.memory_space<hbm>>
      %dma_start3A_36 = tpu.memref_squeeze %dma_start3A_35 : memref<1x1x20224xi32, #tpu.memory_space<hbm>> -> memref<20224xi32, #tpu.memory_space<hbm>>
      %dma_start3A_37 = arith.constant 0 : i32
      %dma_start3A_38 = tpu.memref_slice %arg4[%arg0, %arg1, %dma_start3A_37] : memref<2x16x20224xi32, #tpu.memory_space<hbm>> -> memref<1x1x20224xi32, #tpu.memory_space<hbm>>
      %dma_start3A_39 = tpu.memref_squeeze %dma_start3A_38 : memref<1x1x20224xi32, #tpu.memory_space<hbm>> -> memref<20224xi32, #tpu.memory_space<hbm>>
      %dma_start3A_40 = arith.constant 0 : i32
      %dma_start3A_41 = tpu.memref_slice %arg10[%dma_start3A_40] : memref<20240xi32, #tpu.memory_space<vmem>> -> memref<20224xi32, #tpu.memory_space<vmem>>
      tpu.enqueue_dma source(%dma_start3A_41 : memref<20224xi32, #tpu.memory_space<vmem>>) target(%dma_start3A_39 : memref<20224xi32, #tpu.memory_space<hbm>>) target_semaphore(%run_scoped3A : memref<!tpu.dma_semaphore, #tpu.memory_space<semaphore_mem>>)
      %dma_wait3A_42 = arith.constant 0 : i32
      %dma_wait3A_43 = tpu.memref_slice %arg10[%dma_wait3A_42] : memref<20240xi32, #tpu.memory_space<vmem>> -> memref<20224xi32, #tpu.memory_space<vmem>>
      %dma_wait3A_44 = arith.constant 0 : i32
      %dma_wait3A_45 = tpu.memref_slice %arg4[%arg0, %arg1, %dma_wait3A_44] : memref<2x16x20224xi32, #tpu.memory_space<hbm>> -> memref<1x1x20224xi32, #tpu.memory_space<hbm>>
      %dma_wait3A_46 = tpu.memref_squeeze %dma_wait3A_45 : memref<1x1x20224xi32, #tpu.memory_space<hbm>> -> memref<20224xi32, #tpu.memory_space<hbm>>
      %dma_wait3A_47 = arith.constant 0 : i32
      %dma_wait3A_48 = tpu.memref_slice %arg4[%arg0, %arg1, %dma_wait3A_47] : memref<2x16x20224xi32, #tpu.memory_space<hbm>> -> memref<1x1x20224xi32, #tpu.memory_space<hbm>>
      %dma_wait3A_49 = tpu.memref_squeeze %dma_wait3A_48 : memref<1x1x20224xi32, #tpu.memory_space<hbm>> -> memref<20224xi32, #tpu.memory_space<hbm>>
      %dma_wait3A_50 = arith.constant 0 : i32
      %dma_wait3A_51 = tpu.memref_slice %arg10[%dma_wait3A_50] : memref<20240xi32, #tpu.memory_space<vmem>> -> memref<20224xi32, #tpu.memory_space<vmem>>
      tpu.wait_dma2 semaphore(%run_scoped3A : memref<!tpu.dma_semaphore, #tpu.memory_space<semaphore_mem>>) src(%dma_wait3A_51 : memref<20224xi32, #tpu.memory_space<vmem>>) dst(%dma_wait3A_49 : memref<20224xi32, #tpu.memory_space<hbm>>)
      tpu.yield
    }) : () -> ()
    "tpu.region"() ({
      %run_scoped3A = tpu.sem_alloc : memref<!tpu.dma_semaphore, #tpu.memory_space<semaphore_mem>>
      %dma_start3A_32 = arith.constant 0 : i32
      %dma_start3A_33 = tpu.memref_slice %arg11[%dma_start3A_32] : memref<20240xi32, #tpu.memory_space<vmem>> -> memref<20224xi32, #tpu.memory_space<vmem>>
      %dma_start3A_34 = arith.constant 0 : i32
      %dma_start3A_35 = tpu.memref_slice %arg5[%arg0, %arg1, %dma_start3A_34] : memref<2x16x20224xi32, #tpu.memory_space<hbm>> -> memref<1x1x20224xi32, #tpu.memory_space<hbm>>
      %dma_start3A_36 = tpu.memref_squeeze %dma_start3A_35 : memref<1x1x20224xi32, #tpu.memory_space<hbm>> -> memref<20224xi32, #tpu.memory_space<hbm>>
      %dma_start3A_37 = arith.constant 0 : i32
      %dma_start3A_38 = tpu.memref_slice %arg5[%arg0, %arg1, %dma_start3A_37] : memref<2x16x20224xi32, #tpu.memory_space<hbm>> -> memref<1x1x20224xi32, #tpu.memory_space<hbm>>
      %dma_start3A_39 = tpu.memref_squeeze %dma_start3A_38 : memref<1x1x20224xi32, #tpu.memory_space<hbm>> -> memref<20224xi32, #tpu.memory_space<hbm>>
      %dma_start3A_40 = arith.constant 0 : i32
      %dma_start3A_41 = tpu.memref_slice %arg11[%dma_start3A_40] : memref<20240xi32, #tpu.memory_space<vmem>> -> memref<20224xi32, #tpu.memory_space<vmem>>
      tpu.enqueue_dma source(%dma_start3A_41 : memref<20224xi32, #tpu.memory_space<vmem>>) target(%dma_start3A_39 : memref<20224xi32, #tpu.memory_space<hbm>>) target_semaphore(%run_scoped3A : memref<!tpu.dma_semaphore, #tpu.memory_space<semaphore_mem>>)
      %dma_wait3A_42 = arith.constant 0 : i32
      %dma_wait3A_43 = tpu.memref_slice %arg11[%dma_wait3A_42] : memref<20240xi32, #tpu.memory_space<vmem>> -> memref<20224xi32, #tpu.memory_space<vmem>>
      %dma_wait3A_44 = arith.constant 0 : i32
      %dma_wait3A_45 = tpu.memref_slice %arg5[%arg0, %arg1, %dma_wait3A_44] : memref<2x16x20224xi32, #tpu.memory_space<hbm>> -> memref<1x1x20224xi32, #tpu.memory_space<hbm>>
      %dma_wait3A_46 = tpu.memref_squeeze %dma_wait3A_45 : memref<1x1x20224xi32, #tpu.memory_space<hbm>> -> memref<20224xi32, #tpu.memory_space<hbm>>
      %dma_wait3A_47 = arith.constant 0 : i32
      %dma_wait3A_48 = tpu.memref_slice %arg5[%arg0, %arg1, %dma_wait3A_47] : memref<2x16x20224xi32, #tpu.memory_space<hbm>> -> memref<1x1x20224xi32, #tpu.memory_space<hbm>>
      %dma_wait3A_49 = tpu.memref_squeeze %dma_wait3A_48 : memref<1x1x20224xi32, #tpu.memory_space<hbm>> -> memref<20224xi32, #tpu.memory_space<hbm>>
      %dma_wait3A_50 = arith.constant 0 : i32
      %dma_wait3A_51 = tpu.memref_slice %arg11[%dma_wait3A_50] : memref<20240xi32, #tpu.memory_space<vmem>> -> memref<20224xi32, #tpu.memory_space<vmem>>
      tpu.wait_dma2 semaphore(%run_scoped3A : memref<!tpu.dma_semaphore, #tpu.memory_space<semaphore_mem>>) src(%dma_wait3A_51 : memref<20224xi32, #tpu.memory_space<vmem>>) dst(%dma_wait3A_49 : memref<20224xi32, #tpu.memory_space<hbm>>)
      tpu.yield
    }) : () -> ()
    "tpu.region"() ({
      %run_scoped3A = tpu.sem_alloc : memref<!tpu.dma_semaphore, #tpu.memory_space<semaphore_mem>>
      %dma_start3A_32 = arith.constant 0 : i32
      %dma_start3A_33 = tpu.memref_slice %arg7[%arg0, %arg1, %dma_start3A_32] : memref<2x16x5056xf32, #tpu.memory_space<hbm>> -> memref<1x1x5056xf32, #tpu.memory_space<hbm>>
      %dma_start3A_34 = tpu.memref_squeeze %dma_start3A_33 : memref<1x1x5056xf32, #tpu.memory_space<hbm>> -> memref<5056xf32, #tpu.memory_space<hbm>>
      %dma_start3A_35 = arith.constant 0 : i32
      %dma_start3A_36 = tpu.memref_slice %arg7[%arg0, %arg1, %dma_start3A_35] : memref<2x16x5056xf32, #tpu.memory_space<hbm>> -> memref<1x1x5056xf32, #tpu.memory_space<hbm>>
      %dma_start3A_37 = tpu.memref_squeeze %dma_start3A_36 : memref<1x1x5056xf32, #tpu.memory_space<hbm>> -> memref<5056xf32, #tpu.memory_space<hbm>>
      tpu.enqueue_dma source(%arg12 : memref<5056xf32, #tpu.memory_space<vmem>>) target(%dma_start3A_37 : memref<5056xf32, #tpu.memory_space<hbm>>) target_semaphore(%run_scoped3A : memref<!tpu.dma_semaphore, #tpu.memory_space<semaphore_mem>>)
      %dma_wait3A_38 = arith.constant 0 : i32
      %dma_wait3A_39 = tpu.memref_slice %arg7[%arg0, %arg1, %dma_wait3A_38] : memref<2x16x5056xf32, #tpu.memory_space<hbm>> -> memref<1x1x5056xf32, #tpu.memory_space<hbm>>
      %dma_wait3A_40 = tpu.memref_squeeze %dma_wait3A_39 : memref<1x1x5056xf32, #tpu.memory_space<hbm>> -> memref<5056xf32, #tpu.memory_space<hbm>>
      %dma_wait3A_41 = arith.constant 0 : i32
      %dma_wait3A_42 = tpu.memref_slice %arg7[%arg0, %arg1, %dma_wait3A_41] : memref<2x16x5056xf32, #tpu.memory_space<hbm>> -> memref<1x1x5056xf32, #tpu.memory_space<hbm>>
      %dma_wait3A_43 = tpu.memref_squeeze %dma_wait3A_42 : memref<1x1x5056xf32, #tpu.memory_space<hbm>> -> memref<5056xf32, #tpu.memory_space<hbm>>
      tpu.wait_dma2 semaphore(%run_scoped3A : memref<!tpu.dma_semaphore, #tpu.memory_space<semaphore_mem>>) src(%arg12 : memref<5056xf32, #tpu.memory_space<vmem>>) dst(%dma_wait3A_43 : memref<5056xf32, #tpu.memory_space<hbm>>)
      tpu.yield
    }) : () -> ()
    %dma_wait3A = arith.constant 0 : i32
    %dma_wait3A_27 = tpu.memref_slice %arg6[%arg0, %arg1, %dma_wait3A] : memref<2x16x16xi32, #tpu.memory_space<hbm>> -> memref<1x1x16xi32, #tpu.memory_space<hbm>>
    %dma_wait3A_28 = tpu.memref_squeeze %dma_wait3A_27 : memref<1x1x16xi32, #tpu.memory_space<hbm>> -> memref<16xi32, #tpu.memory_space<hbm>>
    %dma_wait3A_29 = arith.constant 0 : i32
    %dma_wait3A_30 = tpu.memref_slice %arg6[%arg0, %arg1, %dma_wait3A_29] : memref<2x16x16xi32, #tpu.memory_space<hbm>> -> memref<1x1x16xi32, #tpu.memory_space<hbm>>
    %dma_wait3A_31 = tpu.memref_squeeze %dma_wait3A_30 : memref<1x1x16xi32, #tpu.memory_space<hbm>> -> memref<16xi32, #tpu.memory_space<hbm>>
    tpu.wait_dma2 semaphore(%arg14 : memref<!tpu.dma_semaphore, #tpu.memory_space<semaphore_mem>>) src(%arg13 : memref<16xi32, #tpu.memory_space<vmem>>) dst(%dma_wait3A_31 : memref<16xi32, #tpu.memory_space<hbm>>)
    return
  }
}

#map = affine_map<(d0, d1) -> (0, 0)>
#map1 = affine_map<(d0, d1) -> (0, 0, 0, 0)>
#map2 = affine_map<(d0, d1) -> (0, 0, 0)>
module attributes {stable_mosaic.version = 14 : i64} {
  func.func @_prop_kernel(%arg0: i32, %arg1: i32, %arg2: memref<10112x128xf32, #tpu.memory_space<hbm>>, %arg3: memref<2x16x158x128xi32, #tpu.memory_space<hbm>>, %arg4: memref<2x16x158x128xi32, #tpu.memory_space<hbm>>, %arg5: memref<2x16x16xi32, #tpu.memory_space<hbm>>, %arg6: memref<10112x128xf32, #tpu.memory_space<hbm>>, %arg7: memref<158x128xi32, #tpu.memory_space<vmem>>, %arg8: memref<158x128xi32, #tpu.memory_space<vmem>>, %arg9: memref<128x128xf32, #tpu.memory_space<vmem>>, %arg10: memref<128x128xf32, #tpu.memory_space<vmem>>, %arg11: memref<6080x128xf32, #tpu.memory_space<vmem_shared>>, %arg12: memref<16xi32, #tpu.memory_space<vmem>>, %arg13: memref<!tpu.dma_semaphore, #tpu.memory_space<semaphore_mem>>, %arg14: memref<!tpu.dma_semaphore, #tpu.memory_space<semaphore_mem>>) attributes {dimension_semantics = [#tpu.dimension_semantics<core_parallel>, #tpu.dimension_semantics<subcore_parallel>], iteration_bounds = array<i64: 2, 16>, scalar_prefetch = 0 : i64, scratch_operands = 8 : i64, tpu.core_type = #tpu.core_type<sc_vector_subcore>, window_params = [{transform_indices = #map}, {transform_indices = #map1}, {transform_indices = #map1}, {transform_indices = #map2}, {transform_indices = #map}]} {
    %lt3A = arith.constant 8 : i32
    %lt3A_0 = arith.cmpi slt, %arg1, %lt3A : i32
    %convert_element_type3A = arith.extui %lt3A_0 : i1 to i32
    %cond3A = arith.constant 0 : i32
    %cond3A_1 = arith.cmpi ne, %convert_element_type3A, %cond3A : i32
    scf.if %cond3A_1 {
      %mul3A = arith.constant 632 : i32
      %mul3A_23 = arith.muli %arg1, %mul3A : i32
      %mul3A_24 = arith.constant 5056 : i32
      %mul3A_25 = arith.muli %arg0, %mul3A_24 : i32
      %add3A = arith.addi %mul3A_25, %mul3A_23 : i32
      %dma_start3A = arith.constant 0 : i32
      %dma_start3A_26 = tpu.memref_slice %arg11[%mul3A_23, %dma_start3A] : memref<6080x128xf32, #tpu.memory_space<vmem_shared>> -> memref<632x128xf32, #tpu.memory_space<vmem_shared>>
      %dma_start3A_27 = arith.constant 0 : i32
      %dma_start3A_28 = tpu.memref_slice %arg2[%add3A, %dma_start3A_27] : memref<10112x128xf32, #tpu.memory_space<hbm>> -> memref<632x128xf32, #tpu.memory_space<hbm>>
      tpu.enqueue_dma source(%dma_start3A_28 : memref<632x128xf32, #tpu.memory_space<hbm>>) target(%dma_start3A_26 : memref<632x128xf32, #tpu.memory_space<vmem_shared>>) target_semaphore(%arg13 : memref<!tpu.dma_semaphore, #tpu.memory_space<semaphore_mem>>)
    } else {
    }
    "tpu.region"() ({
      %run_scoped3A = tpu.sem_alloc : memref<!tpu.dma_semaphore, #tpu.memory_space<semaphore_mem>>
      %dma_start3A = arith.constant 0 : i32
      %dma_start3A_23 = arith.constant 0 : i32
      %dma_start3A_24 = tpu.memref_slice %arg3[%arg0, %arg1, %dma_start3A, %dma_start3A_23] : memref<2x16x158x128xi32, #tpu.memory_space<hbm>> -> memref<1x1x158x128xi32, #tpu.memory_space<hbm>>
      %dma_start3A_25 = tpu.memref_squeeze %dma_start3A_24 : memref<1x1x158x128xi32, #tpu.memory_space<hbm>> -> memref<158x128xi32, #tpu.memory_space<hbm>>
      %dma_start3A_26 = arith.constant 0 : i32
      %dma_start3A_27 = arith.constant 0 : i32
      %dma_start3A_28 = tpu.memref_slice %arg3[%arg0, %arg1, %dma_start3A_26, %dma_start3A_27] : memref<2x16x158x128xi32, #tpu.memory_space<hbm>> -> memref<1x1x158x128xi32, #tpu.memory_space<hbm>>
      %dma_start3A_29 = tpu.memref_squeeze %dma_start3A_28 : memref<1x1x158x128xi32, #tpu.memory_space<hbm>> -> memref<158x128xi32, #tpu.memory_space<hbm>>
      tpu.enqueue_dma source(%dma_start3A_29 : memref<158x128xi32, #tpu.memory_space<hbm>>) target(%arg7 : memref<158x128xi32, #tpu.memory_space<vmem>>) target_semaphore(%run_scoped3A : memref<!tpu.dma_semaphore, #tpu.memory_space<semaphore_mem>>)
      %dma_wait3A = arith.constant 0 : i32
      %dma_wait3A_30 = arith.constant 0 : i32
      %dma_wait3A_31 = tpu.memref_slice %arg3[%arg0, %arg1, %dma_wait3A, %dma_wait3A_30] : memref<2x16x158x128xi32, #tpu.memory_space<hbm>> -> memref<1x1x158x128xi32, #tpu.memory_space<hbm>>
      %dma_wait3A_32 = tpu.memref_squeeze %dma_wait3A_31 : memref<1x1x158x128xi32, #tpu.memory_space<hbm>> -> memref<158x128xi32, #tpu.memory_space<hbm>>
      %dma_wait3A_33 = arith.constant 0 : i32
      %dma_wait3A_34 = arith.constant 0 : i32
      %dma_wait3A_35 = tpu.memref_slice %arg3[%arg0, %arg1, %dma_wait3A_33, %dma_wait3A_34] : memref<2x16x158x128xi32, #tpu.memory_space<hbm>> -> memref<1x1x158x128xi32, #tpu.memory_space<hbm>>
      %dma_wait3A_36 = tpu.memref_squeeze %dma_wait3A_35 : memref<1x1x158x128xi32, #tpu.memory_space<hbm>> -> memref<158x128xi32, #tpu.memory_space<hbm>>
      tpu.wait_dma2 semaphore(%run_scoped3A : memref<!tpu.dma_semaphore, #tpu.memory_space<semaphore_mem>>) src(%dma_wait3A_36 : memref<158x128xi32, #tpu.memory_space<hbm>>) dst(%arg7 : memref<158x128xi32, #tpu.memory_space<vmem>>)
      tpu.yield
    }) : () -> ()
    "tpu.region"() ({
      %run_scoped3A = tpu.sem_alloc : memref<!tpu.dma_semaphore, #tpu.memory_space<semaphore_mem>>
      %dma_start3A = arith.constant 0 : i32
      %dma_start3A_23 = arith.constant 0 : i32
      %dma_start3A_24 = tpu.memref_slice %arg4[%arg0, %arg1, %dma_start3A, %dma_start3A_23] : memref<2x16x158x128xi32, #tpu.memory_space<hbm>> -> memref<1x1x158x128xi32, #tpu.memory_space<hbm>>
      %dma_start3A_25 = tpu.memref_squeeze %dma_start3A_24 : memref<1x1x158x128xi32, #tpu.memory_space<hbm>> -> memref<158x128xi32, #tpu.memory_space<hbm>>
      %dma_start3A_26 = arith.constant 0 : i32
      %dma_start3A_27 = arith.constant 0 : i32
      %dma_start3A_28 = tpu.memref_slice %arg4[%arg0, %arg1, %dma_start3A_26, %dma_start3A_27] : memref<2x16x158x128xi32, #tpu.memory_space<hbm>> -> memref<1x1x158x128xi32, #tpu.memory_space<hbm>>
      %dma_start3A_29 = tpu.memref_squeeze %dma_start3A_28 : memref<1x1x158x128xi32, #tpu.memory_space<hbm>> -> memref<158x128xi32, #tpu.memory_space<hbm>>
      tpu.enqueue_dma source(%dma_start3A_29 : memref<158x128xi32, #tpu.memory_space<hbm>>) target(%arg8 : memref<158x128xi32, #tpu.memory_space<vmem>>) target_semaphore(%run_scoped3A : memref<!tpu.dma_semaphore, #tpu.memory_space<semaphore_mem>>)
      %dma_wait3A = arith.constant 0 : i32
      %dma_wait3A_30 = arith.constant 0 : i32
      %dma_wait3A_31 = tpu.memref_slice %arg4[%arg0, %arg1, %dma_wait3A, %dma_wait3A_30] : memref<2x16x158x128xi32, #tpu.memory_space<hbm>> -> memref<1x1x158x128xi32, #tpu.memory_space<hbm>>
      %dma_wait3A_32 = tpu.memref_squeeze %dma_wait3A_31 : memref<1x1x158x128xi32, #tpu.memory_space<hbm>> -> memref<158x128xi32, #tpu.memory_space<hbm>>
      %dma_wait3A_33 = arith.constant 0 : i32
      %dma_wait3A_34 = arith.constant 0 : i32
      %dma_wait3A_35 = tpu.memref_slice %arg4[%arg0, %arg1, %dma_wait3A_33, %dma_wait3A_34] : memref<2x16x158x128xi32, #tpu.memory_space<hbm>> -> memref<1x1x158x128xi32, #tpu.memory_space<hbm>>
      %dma_wait3A_36 = tpu.memref_squeeze %dma_wait3A_35 : memref<1x1x158x128xi32, #tpu.memory_space<hbm>> -> memref<158x128xi32, #tpu.memory_space<hbm>>
      tpu.wait_dma2 semaphore(%run_scoped3A : memref<!tpu.dma_semaphore, #tpu.memory_space<semaphore_mem>>) src(%dma_wait3A_36 : memref<158x128xi32, #tpu.memory_space<hbm>>) dst(%arg8 : memref<158x128xi32, #tpu.memory_space<vmem>>)
      tpu.yield
    }) : () -> ()
    "tpu.region"() ({
      %run_scoped3A = tpu.sem_alloc : memref<!tpu.dma_semaphore, #tpu.memory_space<semaphore_mem>>
      %dma_start3A = arith.constant 0 : i32
      %dma_start3A_23 = tpu.memref_slice %arg5[%arg0, %arg1, %dma_start3A] : memref<2x16x16xi32, #tpu.memory_space<hbm>> -> memref<1x1x16xi32, #tpu.memory_space<hbm>>
      %dma_start3A_24 = tpu.memref_squeeze %dma_start3A_23 : memref<1x1x16xi32, #tpu.memory_space<hbm>> -> memref<16xi32, #tpu.memory_space<hbm>>
      %dma_start3A_25 = arith.constant 0 : i32
      %dma_start3A_26 = tpu.memref_slice %arg5[%arg0, %arg1, %dma_start3A_25] : memref<2x16x16xi32, #tpu.memory_space<hbm>> -> memref<1x1x16xi32, #tpu.memory_space<hbm>>
      %dma_start3A_27 = tpu.memref_squeeze %dma_start3A_26 : memref<1x1x16xi32, #tpu.memory_space<hbm>> -> memref<16xi32, #tpu.memory_space<hbm>>
      tpu.enqueue_dma source(%dma_start3A_27 : memref<16xi32, #tpu.memory_space<hbm>>) target(%arg12 : memref<16xi32, #tpu.memory_space<vmem>>) target_semaphore(%run_scoped3A : memref<!tpu.dma_semaphore, #tpu.memory_space<semaphore_mem>>)
      %dma_wait3A = arith.constant 0 : i32
      %dma_wait3A_28 = tpu.memref_slice %arg5[%arg0, %arg1, %dma_wait3A] : memref<2x16x16xi32, #tpu.memory_space<hbm>> -> memref<1x1x16xi32, #tpu.memory_space<hbm>>
      %dma_wait3A_29 = tpu.memref_squeeze %dma_wait3A_28 : memref<1x1x16xi32, #tpu.memory_space<hbm>> -> memref<16xi32, #tpu.memory_space<hbm>>
      %dma_wait3A_30 = arith.constant 0 : i32
      %dma_wait3A_31 = tpu.memref_slice %arg5[%arg0, %arg1, %dma_wait3A_30] : memref<2x16x16xi32, #tpu.memory_space<hbm>> -> memref<1x1x16xi32, #tpu.memory_space<hbm>>
      %dma_wait3A_32 = tpu.memref_squeeze %dma_wait3A_31 : memref<1x1x16xi32, #tpu.memory_space<hbm>> -> memref<16xi32, #tpu.memory_space<hbm>>
      tpu.wait_dma2 semaphore(%run_scoped3A : memref<!tpu.dma_semaphore, #tpu.memory_space<semaphore_mem>>) src(%dma_wait3A_32 : memref<16xi32, #tpu.memory_space<hbm>>) dst(%arg12 : memref<16xi32, #tpu.memory_space<vmem>>)
      tpu.yield
    }) : () -> ()
    %lt3A_2 = arith.constant 8 : i32
    %lt3A_3 = arith.cmpi slt, %arg1, %lt3A_2 : i32
    %convert_element_type3A_4 = arith.extui %lt3A_3 : i1 to i32
    %cond3A_5 = arith.constant 0 : i32
    %cond3A_6 = arith.cmpi ne, %convert_element_type3A_4, %cond3A_5 : i32
    scf.if %cond3A_6 {
      %mul3A = arith.constant 632 : i32
      %mul3A_23 = arith.muli %arg1, %mul3A : i32
      %mul3A_24 = arith.constant 5056 : i32
      %mul3A_25 = arith.muli %arg0, %mul3A_24 : i32
      %add3A = arith.addi %mul3A_25, %mul3A_23 : i32
      %dma_wait3A = arith.constant 0 : i32
      %dma_wait3A_26 = tpu.memref_slice %arg11[%mul3A_23, %dma_wait3A] : memref<6080x128xf32, #tpu.memory_space<vmem_shared>> -> memref<632x128xf32, #tpu.memory_space<vmem_shared>>
      %dma_wait3A_27 = arith.constant 0 : i32
      %dma_wait3A_28 = tpu.memref_slice %arg2[%add3A, %dma_wait3A_27] : memref<10112x128xf32, #tpu.memory_space<hbm>> -> memref<632x128xf32, #tpu.memory_space<hbm>>
      tpu.wait_dma2 semaphore(%arg13 : memref<!tpu.dma_semaphore, #tpu.memory_space<semaphore_mem>>) src(%dma_wait3A_28 : memref<632x128xf32, #tpu.memory_space<hbm>>) dst(%dma_wait3A_26 : memref<632x128xf32, #tpu.memory_space<vmem_shared>>)
    } else {
    }
    %barrier3A = arith.constant 0 : index
    tpu.barrier barrier_id(%barrier3A)
    %get3A = arith.constant 0 : index
    %get3A_7 = tpu.vector_load %arg12[%get3A] {strides = array<i32>} : memref<16xi32, #tpu.memory_space<vmem>>, vector<16xi32>,
    %get3A_8 = vector.shape_cast %get3A_7 : vector<16xi32> to vector<16xi32>
    %slice3A = vector.extract_strided_slice %get3A_8 {offsets = [0], sizes = [1], strides = [1]} : vector<16xi32> to vector<1xi32>
    %squeeze3A = vector.extract %slice3A[0] : i32 from vector<1xi32>
    %gt3A = arith.constant 0 : i32
    %gt3A_9 = arith.cmpi sgt, %squeeze3A, %gt3A : i32
    %convert_element_type3A_10 = arith.extui %gt3A_9 : i1 to i32
    %cond3A_11 = arith.constant 0 : i32
    %cond3A_12 = arith.cmpi ne, %convert_element_type3A_10, %cond3A_11 : i32
    scf.if %cond3A_12 {
      %dma_start3A = arith.constant 0 : i32
      %dma_start3A_23 = arith.constant 0 : i32
      %dma_start3A_24 = tpu.memref_slice %arg7[%dma_start3A, %dma_start3A_23] : memref<158x128xi32, #tpu.memory_space<vmem>> -> memref<1x128xi32, #tpu.memory_space<vmem>>
      %dma_start3A_25 = tpu.memref_squeeze %dma_start3A_24 : memref<1x128xi32, #tpu.memory_space<vmem>> -> memref<128xi32, #tpu.memory_space<vmem>>
      %dma_start3A_26 = arith.constant 0 : i32
      %dma_start3A_27 = arith.constant 0 : i32
      %dma_start3A_28 = tpu.memref_slice %arg2[%dma_start3A_26, %dma_start3A_27] : memref<10112x128xf32, #tpu.memory_space<hbm>> -> memref<10112x128xf32, #tpu.memory_space<hbm>>
      tpu.enqueue_indirect_dma source(%dma_start3A_28 : memref<10112x128xf32, #tpu.memory_space<hbm>>) target(%arg9 : memref<128x128xf32, #tpu.memory_space<vmem>>) offsets(%dma_start3A_25 : memref<128xi32, #tpu.memory_space<vmem>>) semaphore(%arg13 : memref<!tpu.dma_semaphore, #tpu.memory_space<semaphore_mem>>)
    } else {
    }
    %scan3A = arith.constant 0 : i32
    %scan3A_13 = arith.constant 79 : i32
    %scan3A_14 = arith.addi %scan3A, %scan3A_13 : i32
    %scan3A_15 = arith.constant 1 : i32
    scf.for %scan3A_23 = %scan3A to %scan3A_14 step %scan3A_15  : i32 {
      %mul3A = arith.constant 2 : i32
      %mul3A_24 = arith.muli %scan3A_23, %mul3A : i32
      %add3A = arith.constant 0 : i32
      %add3A_25 = arith.addi %add3A, %mul3A_24 : i32
      %lt3A_26 = arith.cmpi slt, %add3A_25, %squeeze3A : i32
      %convert_element_type3A_27 = arith.extui %lt3A_26 : i1 to i32
      %cond3A_28 = arith.constant 0 : i32
      %cond3A_29 = arith.cmpi ne, %convert_element_type3A_27, %cond3A_28 : i32
      scf.if %cond3A_29 {
        %add3A_30 = arith.constant 1 : i32
        %add3A_31 = arith.addi %add3A_25, %add3A_30 : i32
        %lt3A_32 = arith.cmpi slt, %add3A_31, %squeeze3A : i32
        %convert_element_type3A_33 = arith.extui %lt3A_32 : i1 to i32
        %cond3A_34 = arith.constant 0 : i32
        %cond3A_35 = arith.cmpi ne, %convert_element_type3A_33, %cond3A_34 : i32
        scf.if %cond3A_35 {
          %add3A_53 = arith.constant 1 : i32
          %add3A_54 = arith.addi %add3A_25, %add3A_53 : i32
          %dma_start3A = arith.constant 0 : i32
          %dma_start3A_55 = tpu.memref_slice %arg7[%add3A_54, %dma_start3A] : memref<158x128xi32, #tpu.memory_space<vmem>> -> memref<1x128xi32, #tpu.memory_space<vmem>>
          %dma_start3A_56 = tpu.memref_squeeze %dma_start3A_55 : memref<1x128xi32, #tpu.memory_space<vmem>> -> memref<128xi32, #tpu.memory_space<vmem>>
          %dma_start3A_57 = arith.constant 0 : i32
          %dma_start3A_58 = arith.constant 0 : i32
          %dma_start3A_59 = tpu.memref_slice %arg2[%dma_start3A_57, %dma_start3A_58] : memref<10112x128xf32, #tpu.memory_space<hbm>> -> memref<10112x128xf32, #tpu.memory_space<hbm>>
          tpu.enqueue_indirect_dma source(%dma_start3A_59 : memref<10112x128xf32, #tpu.memory_space<hbm>>) target(%arg10 : memref<128x128xf32, #tpu.memory_space<vmem>>) offsets(%dma_start3A_56 : memref<128xi32, #tpu.memory_space<vmem>>) semaphore(%arg14 : memref<!tpu.dma_semaphore, #tpu.memory_space<semaphore_mem>>)
        } else {
        }
        %dma_wait3A = arith.constant 0 : i32
        %dma_wait3A_36 = tpu.memref_slice %arg7[%add3A_25, %dma_wait3A] : memref<158x128xi32, #tpu.memory_space<vmem>> -> memref<1x128xi32, #tpu.memory_space<vmem>>
        %dma_wait3A_37 = tpu.memref_squeeze %dma_wait3A_36 : memref<1x128xi32, #tpu.memory_space<vmem>> -> memref<128xi32, #tpu.memory_space<vmem>>
        %dma_wait3A_38 = arith.constant 0 : i32
        %dma_wait3A_39 = arith.constant 0 : i32
        %dma_wait3A_40 = tpu.memref_slice %arg2[%dma_wait3A_38, %dma_wait3A_39] : memref<10112x128xf32, #tpu.memory_space<hbm>> -> memref<10112x128xf32, #tpu.memory_space<hbm>>
        tpu.wait_indirect_dma semaphore(%arg13 : memref<!tpu.dma_semaphore, #tpu.memory_space<semaphore_mem>>) src(%dma_wait3A_40 : memref<10112x128xf32, #tpu.memory_space<hbm>>) dst(%arg9 : memref<128x128xf32, #tpu.memory_space<vmem>>)
        "tpu.region"() ({
          %run_scoped3A = tpu.sem_alloc : memref<!tpu.dma_semaphore, #tpu.memory_space<semaphore_mem>>
          %dma_start3A = arith.constant 0 : i32
          %dma_start3A_53 = tpu.memref_slice %arg8[%add3A_25, %dma_start3A] : memref<158x128xi32, #tpu.memory_space<vmem>> -> memref<1x128xi32, #tpu.memory_space<vmem>>
          %dma_start3A_54 = tpu.memref_squeeze %dma_start3A_53 : memref<1x128xi32, #tpu.memory_space<vmem>> -> memref<128xi32, #tpu.memory_space<vmem>>
          %dma_start3A_55 = arith.constant 0 : i32
          %dma_start3A_56 = arith.constant 0 : i32
          %dma_start3A_57 = tpu.memref_slice %arg11[%dma_start3A_55, %dma_start3A_56] : memref<6080x128xf32, #tpu.memory_space<vmem_shared>> -> memref<6080x128xf32, #tpu.memory_space<vmem_shared>>
          tpu.enqueue_indirect_dma source(%arg9 : memref<128x128xf32, #tpu.memory_space<vmem>>) target(%dma_start3A_57 : memref<6080x128xf32, #tpu.memory_space<vmem_shared>>) offsets(%dma_start3A_54 : memref<128xi32, #tpu.memory_space<vmem>>) semaphore(%run_scoped3A : memref<!tpu.dma_semaphore, #tpu.memory_space<semaphore_mem>>) {add = true}
          %dma_wait3A_58 = arith.constant 0 : i32
          %dma_wait3A_59 = tpu.memref_slice %arg8[%add3A_25, %dma_wait3A_58] : memref<158x128xi32, #tpu.memory_space<vmem>> -> memref<1x128xi32, #tpu.memory_space<vmem>>
          %dma_wait3A_60 = tpu.memref_squeeze %dma_wait3A_59 : memref<1x128xi32, #tpu.memory_space<vmem>> -> memref<128xi32, #tpu.memory_space<vmem>>
          %dma_wait3A_61 = arith.constant 0 : i32
          %dma_wait3A_62 = arith.constant 0 : i32
          %dma_wait3A_63 = tpu.memref_slice %arg11[%dma_wait3A_61, %dma_wait3A_62] : memref<6080x128xf32, #tpu.memory_space<vmem_shared>> -> memref<6080x128xf32, #tpu.memory_space<vmem_shared>>
          tpu.wait_indirect_dma semaphore(%run_scoped3A : memref<!tpu.dma_semaphore, #tpu.memory_space<semaphore_mem>>) src(%arg9 : memref<128x128xf32, #tpu.memory_space<vmem>>) dst(%dma_wait3A_63 : memref<6080x128xf32, #tpu.memory_space<vmem_shared>>)
          tpu.yield
        }) : () -> ()
        %add3A_41 = arith.constant 2 : i32
        %add3A_42 = arith.addi %add3A_25, %add3A_41 : i32
        %lt3A_43 = arith.cmpi slt, %add3A_42, %squeeze3A : i32
        %convert_element_type3A_44 = arith.extui %lt3A_43 : i1 to i32
        %cond3A_45 = arith.constant 0 : i32
        %cond3A_46 = arith.cmpi ne, %convert_element_type3A_44, %cond3A_45 : i32
        scf.if %cond3A_46 {
          %add3A_53 = arith.constant 2 : i32
          %add3A_54 = arith.addi %add3A_25, %add3A_53 : i32
          %dma_start3A = arith.constant 0 : i32
          %dma_start3A_55 = tpu.memref_slice %arg7[%add3A_54, %dma_start3A] : memref<158x128xi32, #tpu.memory_space<vmem>> -> memref<1x128xi32, #tpu.memory_space<vmem>>
          %dma_start3A_56 = tpu.memref_squeeze %dma_start3A_55 : memref<1x128xi32, #tpu.memory_space<vmem>> -> memref<128xi32, #tpu.memory_space<vmem>>
          %dma_start3A_57 = arith.constant 0 : i32
          %dma_start3A_58 = arith.constant 0 : i32
          %dma_start3A_59 = tpu.memref_slice %arg2[%dma_start3A_57, %dma_start3A_58] : memref<10112x128xf32, #tpu.memory_space<hbm>> -> memref<10112x128xf32, #tpu.memory_space<hbm>>
          tpu.enqueue_indirect_dma source(%dma_start3A_59 : memref<10112x128xf32, #tpu.memory_space<hbm>>) target(%arg9 : memref<128x128xf32, #tpu.memory_space<vmem>>) offsets(%dma_start3A_56 : memref<128xi32, #tpu.memory_space<vmem>>) semaphore(%arg13 : memref<!tpu.dma_semaphore, #tpu.memory_space<semaphore_mem>>)
        } else {
        }
        %add3A_47 = arith.constant 1 : i32
        %add3A_48 = arith.addi %add3A_25, %add3A_47 : i32
        %lt3A_49 = arith.cmpi slt, %add3A_48, %squeeze3A : i32
        %convert_element_type3A_50 = arith.extui %lt3A_49 : i1 to i32
        %cond3A_51 = arith.constant 0 : i32
        %cond3A_52 = arith.cmpi ne, %convert_element_type3A_50, %cond3A_51 : i32
        scf.if %cond3A_52 {
          %add3A_53 = arith.constant 1 : i32
          %add3A_54 = arith.addi %add3A_25, %add3A_53 : i32
          %dma_wait3A_55 = arith.constant 0 : i32
          %dma_wait3A_56 = tpu.memref_slice %arg7[%add3A_54, %dma_wait3A_55] : memref<158x128xi32, #tpu.memory_space<vmem>> -> memref<1x128xi32, #tpu.memory_space<vmem>>
          %dma_wait3A_57 = tpu.memref_squeeze %dma_wait3A_56 : memref<1x128xi32, #tpu.memory_space<vmem>> -> memref<128xi32, #tpu.memory_space<vmem>>
          %dma_wait3A_58 = arith.constant 0 : i32
          %dma_wait3A_59 = arith.constant 0 : i32
          %dma_wait3A_60 = tpu.memref_slice %arg2[%dma_wait3A_58, %dma_wait3A_59] : memref<10112x128xf32, #tpu.memory_space<hbm>> -> memref<10112x128xf32, #tpu.memory_space<hbm>>
          tpu.wait_indirect_dma semaphore(%arg14 : memref<!tpu.dma_semaphore, #tpu.memory_space<semaphore_mem>>) src(%dma_wait3A_60 : memref<10112x128xf32, #tpu.memory_space<hbm>>) dst(%arg10 : memref<128x128xf32, #tpu.memory_space<vmem>>)
          "tpu.region"() ({
            %run_scoped3A = tpu.sem_alloc : memref<!tpu.dma_semaphore, #tpu.memory_space<semaphore_mem>>
            %dma_start3A = arith.constant 0 : i32
            %dma_start3A_61 = tpu.memref_slice %arg8[%add3A_54, %dma_start3A] : memref<158x128xi32, #tpu.memory_space<vmem>> -> memref<1x128xi32, #tpu.memory_space<vmem>>
            %dma_start3A_62 = tpu.memref_squeeze %dma_start3A_61 : memref<1x128xi32, #tpu.memory_space<vmem>> -> memref<128xi32, #tpu.memory_space<vmem>>
            %dma_start3A_63 = arith.constant 0 : i32
            %dma_start3A_64 = arith.constant 0 : i32
            %dma_start3A_65 = tpu.memref_slice %arg11[%dma_start3A_63, %dma_start3A_64] : memref<6080x128xf32, #tpu.memory_space<vmem_shared>> -> memref<6080x128xf32, #tpu.memory_space<vmem_shared>>
            tpu.enqueue_indirect_dma source(%arg10 : memref<128x128xf32, #tpu.memory_space<vmem>>) target(%dma_start3A_65 : memref<6080x128xf32, #tpu.memory_space<vmem_shared>>) offsets(%dma_start3A_62 : memref<128xi32, #tpu.memory_space<vmem>>) semaphore(%run_scoped3A : memref<!tpu.dma_semaphore, #tpu.memory_space<semaphore_mem>>) {add = true}
            %dma_wait3A_66 = arith.constant 0 : i32
            %dma_wait3A_67 = tpu.memref_slice %arg8[%add3A_54, %dma_wait3A_66] : memref<158x128xi32, #tpu.memory_space<vmem>> -> memref<1x128xi32, #tpu.memory_space<vmem>>
            %dma_wait3A_68 = tpu.memref_squeeze %dma_wait3A_67 : memref<1x128xi32, #tpu.memory_space<vmem>> -> memref<128xi32, #tpu.memory_space<vmem>>
            %dma_wait3A_69 = arith.constant 0 : i32
            %dma_wait3A_70 = arith.constant 0 : i32
            %dma_wait3A_71 = tpu.memref_slice %arg11[%dma_wait3A_69, %dma_wait3A_70] : memref<6080x128xf32, #tpu.memory_space<vmem_shared>> -> memref<6080x128xf32, #tpu.memory_space<vmem_shared>>
            tpu.wait_indirect_dma semaphore(%run_scoped3A : memref<!tpu.dma_semaphore, #tpu.memory_space<semaphore_mem>>) src(%arg10 : memref<128x128xf32, #tpu.memory_space<vmem>>) dst(%dma_wait3A_71 : memref<6080x128xf32, #tpu.memory_space<vmem_shared>>)
            tpu.yield
          }) : () -> ()
        } else {
        }
      } else {
      }
    }
    %scan3A_16 = arith.constant 79 : i32
    %barrier3A_17 = arith.constant 0 : index
    tpu.barrier barrier_id(%barrier3A_17)
    %lt3A_18 = arith.constant 8 : i32
    %lt3A_19 = arith.cmpi slt, %arg1, %lt3A_18 : i32
    %convert_element_type3A_20 = arith.extui %lt3A_19 : i1 to i32
    %cond3A_21 = arith.constant 0 : i32
    %cond3A_22 = arith.cmpi ne, %convert_element_type3A_20, %cond3A_21 : i32
    scf.if %cond3A_22 {
      %mul3A = arith.constant 632 : i32
      %mul3A_23 = arith.muli %arg1, %mul3A : i32
      %mul3A_24 = arith.constant 5056 : i32
      %mul3A_25 = arith.muli %arg0, %mul3A_24 : i32
      %add3A = arith.addi %mul3A_25, %mul3A_23 : i32
      "tpu.region"() ({
        %run_scoped3A = tpu.sem_alloc : memref<!tpu.dma_semaphore, #tpu.memory_space<semaphore_mem>>
        %dma_start3A = arith.constant 0 : i32
        %dma_start3A_26 = tpu.memref_slice %arg6[%add3A, %dma_start3A] : memref<10112x128xf32, #tpu.memory_space<hbm>> -> memref<632x128xf32, #tpu.memory_space<hbm>>
        %dma_start3A_27 = arith.constant 0 : i32
        %dma_start3A_28 = tpu.memref_slice %arg11[%mul3A_23, %dma_start3A_27] : memref<6080x128xf32, #tpu.memory_space<vmem_shared>> -> memref<632x128xf32, #tpu.memory_space<vmem_shared>>
        tpu.enqueue_dma source(%dma_start3A_28 : memref<632x128xf32, #tpu.memory_space<vmem_shared>>) target(%dma_start3A_26 : memref<632x128xf32, #tpu.memory_space<hbm>>) target_semaphore(%run_scoped3A : memref<!tpu.dma_semaphore, #tpu.memory_space<semaphore_mem>>)
        %dma_wait3A = arith.constant 0 : i32
        %dma_wait3A_29 = tpu.memref_slice %arg6[%add3A, %dma_wait3A] : memref<10112x128xf32, #tpu.memory_space<hbm>> -> memref<632x128xf32, #tpu.memory_space<hbm>>
        %dma_wait3A_30 = arith.constant 0 : i32
        %dma_wait3A_31 = tpu.memref_slice %arg11[%mul3A_23, %dma_wait3A_30] : memref<6080x128xf32, #tpu.memory_space<vmem_shared>> -> memref<632x128xf32, #tpu.memory_space<vmem_shared>>
        tpu.wait_dma2 semaphore(%run_scoped3A : memref<!tpu.dma_semaphore, #tpu.memory_space<semaphore_mem>>) src(%dma_wait3A_31 : memref<632x128xf32, #tpu.memory_space<vmem_shared>>) dst(%dma_wait3A_29 : memref<632x128xf32, #tpu.memory_space<hbm>>)
        tpu.yield
      }) : () -> ()
    } else {
    }
    return
  }
}

module attributes {stable_mosaic.version = 14 : i64} {
  func.func @_mm1_body(%arg0: memref<10000x128xf32, #tpu.memory_space<vmem>>, %arg1: memref<128x128xf32, #tpu.memory_space<vmem>>, %arg2: memref<10112x128xf32, #tpu.memory_space<vmem>>) attributes {dimension_semantics = [], scalar_prefetch = 0 : i64, scratch_operands = 0 : i64, tpu.core_type = #tpu.core_type<tc>} {
    %get3A = arith.constant 0 : index
    %get3A_0 = arith.constant 0 : index
    %get3A_1 = vector.load %arg0[%get3A, %get3A_0] : memref<10000x128xf32, #tpu.memory_space<vmem>>, vector<10000x128xf32>
    %get3A_2 = arith.constant 0 : index
    %get3A_3 = arith.constant 0 : index
    %get3A_4 = vector.load %arg1[%get3A_2, %get3A_3] : memref<128x128xf32, #tpu.memory_space<vmem>>, vector<128x128xf32>
    %dot_general3A = arith.constant dense<0.000000e+00> : vector<10000x128xf32>
    %dot_general3A_5 = tpu.matmul %get3A_1, %get3A_4, %dot_general3A {dimension_numbers = #tpu.dot_dimension_numbers<[1], [0], [0], [1], [0, 0, 1, 1], [], []>, precision = #tpu.contract_precision<fp32>, transpose_lhs_hint = false} : vector<10000x128xf32>, vector<128x128xf32>, vector<10000x128xf32> -> vector<10000x128xf32>
    %swap3A = arith.constant 0 : index
    %swap3A_6 = arith.constant 0 : index
    %swap3A_7 = vector.load %arg2[%swap3A, %swap3A_6] : memref<10112x128xf32, #tpu.memory_space<vmem>>, vector<10000x128xf32>
    tpu.vector_store %arg2[%swap3A, %swap3A_6], %dot_general3A_5 {strides = array<i32>} : memref<10112x128xf32, #tpu.memory_space<vmem>>, vector<10000x128xf32>,
    %broadcast_in_dim3A = arith.constant 0.000000e+00 : f32
    %broadcast_in_dim3A_8 = vector.broadcast %broadcast_in_dim3A : f32 to vector<112x128xf32>
    %swap3A_9 = arith.constant 10000 : index
    %swap3A_10 = arith.constant 0 : index
    %swap3A_11 = vector.load %arg2[%swap3A_9, %swap3A_10] : memref<10112x128xf32, #tpu.memory_space<vmem>>, vector<112x128xf32>
    tpu.vector_store %arg2[%swap3A_9, %swap3A_10], %broadcast_in_dim3A_8 {strides = array<i32>} : memref<10112x128xf32, #tpu.memory_space<vmem>>, vector<112x128xf32>,
    return
  }
}

module attributes {stable_mosaic.version = 14 : i64} {
  func.func @_scale_body(%arg0: memref<10112x16xf32, #tpu.memory_space<vmem>>, %arg1: memref<10112x128xf32, #tpu.memory_space<vmem>>, %arg2: memref<10112x1xf32, #tpu.memory_space<vmem>>, %arg3: memref<10112x128xf32, #tpu.memory_space<vmem>>) attributes {dimension_semantics = [], scalar_prefetch = 0 : i64, scratch_operands = 0 : i64, tpu.core_type = #tpu.core_type<tc>} {
    %get3A = arith.constant 0 : index
    %get3A_0 = arith.constant 0 : index
    %get3A_1 = vector.load %arg0[%get3A, %get3A_0] : memref<10112x16xf32, #tpu.memory_space<vmem>>, vector<10112x16xf32>
    %reduce_sum3A = arith.constant dense<0.000000e+00> : vector<10112xf32>
    %reduce_sum3A_2 = vector.multi_reduction <add>, %get3A_1, %reduce_sum3A [1] : vector<10112x16xf32> to vector<10112xf32>
    %broadcast_in_dim3A = vector.shape_cast %reduce_sum3A_2 : vector<10112xf32> to vector<10112x1xf32>
    %add3A = arith.constant 1.000000e+00 : f32
    %add3A_3 = vector.broadcast %add3A : f32 to vector<10112x1xf32>
    %add3A_4 = arith.addf %broadcast_in_dim3A, %add3A_3 : vector<10112x1xf32>
    %rsqrt3A = math.rsqrt %add3A_4 : vector<10112x1xf32>
    %swap3A = arith.constant 0 : index
    %swap3A_5 = arith.constant 0 : index
    %swap3A_6 = vector.load %arg2[%swap3A, %swap3A_5] : memref<10112x1xf32, #tpu.memory_space<vmem>>, vector<10112x1xf32>
    tpu.vector_store %arg2[%swap3A, %swap3A_5], %rsqrt3A {strides = array<i32>} : memref<10112x1xf32, #tpu.memory_space<vmem>>, vector<10112x1xf32>,
    %get3A_7 = arith.constant 0 : index
    %get3A_8 = arith.constant 0 : index
    %get3A_9 = vector.load %arg1[%get3A_7, %get3A_8] : memref<10112x128xf32, #tpu.memory_space<vmem>>, vector<10112x128xf32>
    %mul3A = vector.broadcast %rsqrt3A : vector<10112x1xf32> to vector<10112x128xf32>
    %mul3A_10 = arith.mulf %get3A_9, %mul3A : vector<10112x128xf32>
    %swap3A_11 = arith.constant 0 : index
    %swap3A_12 = arith.constant 0 : index
    %swap3A_13 = vector.load %arg3[%swap3A_11, %swap3A_12] : memref<10112x128xf32, #tpu.memory_space<vmem>>, vector<10112x128xf32>
    tpu.vector_store %arg3[%swap3A_11, %swap3A_12], %mul3A_10 {strides = array<i32>} : memref<10112x128xf32, #tpu.memory_space<vmem>>, vector<10112x128xf32>,
    return
  }
}

module attributes {stable_mosaic.version = 14 : i64} {
  func.func @_mid_body(%arg0: memref<10112x128xf32, #tpu.memory_space<vmem>>, %arg1: memref<10112x1xf32, #tpu.memory_space<vmem>>, %arg2: memref<1x128xf32, #tpu.memory_space<vmem>>, %arg3: memref<128x128xf32, #tpu.memory_space<vmem>>, %arg4: memref<10112x128xf32, #tpu.memory_space<vmem>>) attributes {dimension_semantics = [], scalar_prefetch = 0 : i64, scratch_operands = 0 : i64, tpu.core_type = #tpu.core_type<tc>} {
    %get3A = arith.constant 0 : index
    %get3A_0 = arith.constant 0 : index
    %get3A_1 = vector.load %arg1[%get3A, %get3A_0] : memref<10112x1xf32, #tpu.memory_space<vmem>>, vector<10112x1xf32>
    %get3A_2 = arith.constant 0 : index
    %get3A_3 = arith.constant 0 : index
    %get3A_4 = vector.load %arg0[%get3A_2, %get3A_3] : memref<10112x128xf32, #tpu.memory_space<vmem>>, vector<10112x128xf32>
    %mul3A = vector.broadcast %get3A_1 : vector<10112x1xf32> to vector<10112x128xf32>
    %mul3A_5 = arith.mulf %get3A_4, %mul3A : vector<10112x128xf32>
    %get3A_6 = arith.constant 0 : index
    %get3A_7 = arith.constant 0 : index
    %get3A_8 = vector.load %arg2[%get3A_6, %get3A_7] : memref<1x128xf32, #tpu.memory_space<vmem>>, vector<1x128xf32>
    %add3A = vector.broadcast %get3A_8 : vector<1x128xf32> to vector<10112x128xf32>
    %add3A_9 = arith.addf %mul3A_5, %add3A : vector<10112x128xf32>
    %max3A = arith.constant 0.000000e+00 : f32
    %max3A_10 = vector.broadcast %max3A : f32 to vector<10112x128xf32>
    %max3A_11 = arith.maximumf %add3A_9, %max3A_10 : vector<10112x128xf32>
    %get3A_12 = arith.constant 0 : index
    %get3A_13 = arith.constant 0 : index
    %get3A_14 = vector.load %arg3[%get3A_12, %get3A_13] : memref<128x128xf32, #tpu.memory_space<vmem>>, vector<128x128xf32>
    %dot_general3A = arith.constant dense<0.000000e+00> : vector<10112x128xf32>
    %dot_general3A_15 = tpu.matmul %max3A_11, %get3A_14, %dot_general3A {dimension_numbers = #tpu.dot_dimension_numbers<[1], [0], [0], [1], [0, 0, 1, 1], [], []>, precision = #tpu.contract_precision<fp32>, transpose_lhs_hint = false} : vector<10112x128xf32>, vector<128x128xf32>, vector<10112x128xf32> -> vector<10112x128xf32>
    %mul3A_16 = vector.broadcast %get3A_1 : vector<10112x1xf32> to vector<10112x128xf32>
    %mul3A_17 = arith.mulf %dot_general3A_15, %mul3A_16 : vector<10112x128xf32>
    %swap3A = arith.constant 0 : index
    %swap3A_18 = arith.constant 0 : index
    %swap3A_19 = vector.load %arg4[%swap3A, %swap3A_18] : memref<10112x128xf32, #tpu.memory_space<vmem>>, vector<10112x128xf32>
    tpu.vector_store %arg4[%swap3A, %swap3A_18], %mul3A_17 {strides = array<i32>} : memref<10112x128xf32, #tpu.memory_space<vmem>>, vector<10112x128xf32>,
    return
  }
}

module attributes {stable_mosaic.version = 14 : i64} {
  func.func @_final_body(%arg0: memref<10112x128xf32, #tpu.memory_space<vmem>>, %arg1: memref<10112x1xf32, #tpu.memory_space<vmem>>, %arg2: memref<1x128xf32, #tpu.memory_space<vmem>>, %arg3: memref<10000x128xf32, #tpu.memory_space<vmem>>) attributes {dimension_semantics = [], scalar_prefetch = 0 : i64, scratch_operands = 0 : i64, tpu.core_type = #tpu.core_type<tc>} {
    %get3A = arith.constant 0 : index
    %get3A_0 = arith.constant 0 : index
    %get3A_1 = vector.load %arg0[%get3A, %get3A_0] : memref<10112x128xf32, #tpu.memory_space<vmem>>, vector<10112x128xf32>
    %slice3A = vector.extract_strided_slice %get3A_1 {offsets = [0, 0], sizes = [10000, 128], strides = [1, 1]} : vector<10112x128xf32> to vector<10000x128xf32>
    %get3A_2 = arith.constant 0 : index
    %get3A_3 = arith.constant 0 : index
    %get3A_4 = vector.load %arg1[%get3A_2, %get3A_3] : memref<10112x1xf32, #tpu.memory_space<vmem>>, vector<10112x1xf32>
    %slice3A_5 = vector.extract_strided_slice %get3A_4 {offsets = [0, 0], sizes = [10000, 1], strides = [1, 1]} : vector<10112x1xf32> to vector<10000x1xf32>
    %mul3A = vector.broadcast %slice3A_5 : vector<10000x1xf32> to vector<10000x128xf32>
    %mul3A_6 = arith.mulf %slice3A, %mul3A : vector<10000x128xf32>
    %get3A_7 = arith.constant 0 : index
    %get3A_8 = arith.constant 0 : index
    %get3A_9 = vector.load %arg2[%get3A_7, %get3A_8] : memref<1x128xf32, #tpu.memory_space<vmem>>, vector<1x128xf32>
    %add3A = vector.broadcast %get3A_9 : vector<1x128xf32> to vector<10000x128xf32>
    %add3A_10 = arith.addf %mul3A_6, %add3A : vector<10000x128xf32>
    %reduce_max3A = arith.constant dense<0xFF800000> : vector<10000xf32>
    %reduce_max3A_11 = vector.multi_reduction <maximumf>, %add3A_10, %reduce_max3A [1] : vector<10000x128xf32> to vector<10000xf32>
    %broadcast_in_dim3A = vector.shape_cast %reduce_max3A_11 : vector<10000xf32> to vector<10000x1xf32>
    %sub3A = vector.broadcast %broadcast_in_dim3A : vector<10000x1xf32> to vector<10000x128xf32>
    %sub3A_12 = arith.subf %add3A_10, %sub3A : vector<10000x128xf32>
    %exp3A = math.exp %sub3A_12 : vector<10000x128xf32>
    %reduce_sum3A = arith.constant dense<0.000000e+00> : vector<10000xf32>
    %reduce_sum3A_13 = vector.multi_reduction <add>, %exp3A, %reduce_sum3A [1] : vector<10000x128xf32> to vector<10000xf32>
    %broadcast_in_dim3A_14 = vector.shape_cast %reduce_sum3A_13 : vector<10000xf32> to vector<10000x1xf32>
    %log3A = math.log %broadcast_in_dim3A_14 : vector<10000x1xf32>
    %sub3A_15 = vector.broadcast %log3A : vector<10000x1xf32> to vector<10000x128xf32>
    %sub3A_16 = arith.subf %sub3A_12, %sub3A_15 : vector<10000x128xf32>
    %swap3A = arith.constant 0 : index
    %swap3A_17 = arith.constant 0 : index
    %swap3A_18 = vector.load %arg3[%swap3A, %swap3A_17] : memref<10000x128xf32, #tpu.memory_space<vmem>>, vector<10000x128xf32>
    tpu.vector_store %arg3[%swap3A, %swap3A_17], %sub3A_16 {strides = array<i32>} : memref<10000x128xf32, #tpu.memory_space<vmem>>, vector<10000x128xf32>,
    return
  }
}

</mosaic_0001>

<sc_bundles>
// kernel: kernel.12.cloned.1.call-start
scs
__scs_entry_jumppad:
0x0: {  	(pc) =	sbr.rel $0x88, $3  }
0x1: {  	(tag) =	ssettag $0x0;
	lr =	simm.s32 $0x1  }
0x2: {  	[smem:$0x3F9B] =	sst lr;
	_ =	strace $0xD0000000  }
0x3: {  	_ = 	snop  }
0x4: {  	_ = 	snop  }
0x5: {  	_ = 	snop  }
0x6: {  	_ = 	snop  }
0x7: {  	_ = 	snop  }
__scs_overlays_trampoline_lowered:
0x8: {  	[smem:$0x3FAA] =	sst s0  }
0x9: {  	[smem:$0x3FAB] =	sst s1  }
0xa: {  	[smem:$0x3FAC] =	sst s2  }
0xb: {  	[smem:$0x3FAD] =	sst s3  }
0xc: {  	[smem:$0x3FAE] =	sst s4  }
0xd: {  	[smem:$0x3FAF] =	sst s5  }
0xe: {  	[smem:$0x3FB0] =	sst s6  }
0xf: {  	[smem:$0x3FB1] =	sst s7  }
0x10: {  	[smem:$0x3FB2] =	sst s8  }
0x11: {  	[smem:$0x3FB3] =	sst s9;
	s0 =	simm.s32 @!p0 $0x0  }
0x12: {  	s1 =	sld [smem:$0x3F99];
	s0 =	simm.s32 @p0 $0x1  }
0x13: {  	[smem:$0x3FB4] =	sst s0;
	s0 =	simm.s32 @!p1 $0x0  }
0x14: {  	s2 =	sld [smem:$0x3F98];
	s0 =	simm.s32 @p1 $0x1  }
0x15: {  	[smem:$0x3FB5] =	sst s0;
	s0 =	simm.s32 @!p2 $0x0  }
0x16: {  	s3 =	sld [smem:$0x3FDB];
	s0 =	simm.s32 @p2 $0x1  }
0x17: {  	s4 =	simm.s32 $0x1BF5;
	[smem:$0x3FB7] =	sst s0  }
0x18: {  	s0 =	sld [smem:$0x3F9A];
	_ =	swait.ge [sflag:s4], $0x0  }
0x19: {  	s7 =	sld [smem:$0x3F9B]  }
0x1a: {  	s8 =	sadd.s32 $0xFFFFE003, lr  }
0x1b: {  	s9 =	sadd.s32 $0xFFFFFEF7, lr;
	s5 =	simm.s32 $0xFFFFFFFF;
	p2 =	slt.u32 s8, $0xFFFFF086  }
0x1c: {  	p1 =	slt.u32 s9, $0xF7A;
	s5 =	simm.s32 @!p2 $0x0  }
0x1d: {  	s5 =	simm.s32 @p1 $0x1;
	p0 =	seq.s32 s7, s2  }
0x1e: {  	s7 =	smul.u32 @!p0 $0xF7A, s2;
	p2 =	seq.s32 @!p0 s5, $0x0  }
0x1f: {  	s9 =	smul.u32 $0xF7A, s1;
	s8 =	simm.s32 @!p0 $0x1BF5;
	p2 =	por !p2, p0  }
0x20: {  	[sflag:s8] =	ssyncset.s32 @!p0 $0xFFFFF086;
	s6 =	sadd.s32 @!p0 s3, s7;
	s7 =	simm.s32 @!p0 $0x108  }
0x21: {  	s3 =	sadd.s32 s3, s9;
	s6 =	sadd.s32 @!p0 $0x88, s6;
	s7 =	simm.s32 @p2 $0x1082  }
0x22: {  	[simem:s7], [sflag:s8] =	dma.local @!p0 [hbm:s6], $0xF7A  }
0x23: {  	s9 =	sor.u32 $0xD0000000, s2;
	s6 =	simm.s32 $0x108;
	_ =	swait.ge @!p0 [sflag:s8], $0x0  }
0x24: {  	s3 =	sadd.s32 $0x88, s3;
	s6 =	simm.s32 @!p1 $0x1082;
	[sflag:s4] =	ssyncset.s32 $0xFFFFF086  }
0x25: {  	[simem:s6], [sflag:s4] =	dma.local [hbm:s3], $0xF7A  }
0x26: {  	[smem:$0x3F9B] =	sst s1;
	(tag) =	ssettag s2;
	_ =	strace s9  }
0x27: {  	s1 =	sld [smem:$0x3FAB]  }
0x28: {  	s2 =	sld [smem:$0x3FAC]  }
0x29: {  	s4 =	sld [smem:$0x3FAE]  }
0x2a: {  	p0 =	seq.s32 s5, $0x0;
	s5 =	sld [smem:$0x3FAF]  }
0x2b: {  	s6 =	sld [smem:$0x3FB0]  }
0x2c: {  	s7 =	sld [smem:$0x3FB1]  }
0x2d: {  	s3 =	simm.s32 $0x108;
	s8 =	sld [smem:$0x3FB2]  }
0x2e: {  	s3 =	simm.s32 @!p0 $0x1082;
	s9 =	sld [smem:$0x3FB3]  }
0x2f: {  	lr =	sadd.s32 s0, s3;
	s0 =	sld [smem:$0x3FAA]  }
0x30: {  	s3 =	sld [smem:$0x3FAD]  }
0x31: {  	[smem:$0x3FB6] =	sst s10  }
0x32: {  	s10 =	sld [smem:$0x3FB4];
	_ =	sdelay $0x3  }
0x33: {  	p0 =	seq.s32 s10, $0x1;
	s10 =	sld [smem:$0x3FB6];
	_ =	sdelay $0x3  }
0x34: {  	[smem:$0x3FB6] =	sst s10  }
0x35: {  	s10 =	sld [smem:$0x3FB5];
	_ =	sdelay $0x3  }
0x36: {  	p1 =	seq.s32 s10, $0x1;
	s10 =	sld [smem:$0x3FB6];
	_ =	sdelay $0x3  }
0x37: {  	[smem:$0x3FB6] =	sst s10  }
0x38: {  	s10 =	sld [smem:$0x3FB7]  }
0x39: {  	_ = 	snop;
	(pc) =	sbr.ind lr, $3  }
0x3a: {  	_ = 	snop  }
0x3b: {  	_ = 	snop  }
0x3c: {  	p2 =	seq.s32 s10, $0x1;
	s10 =	sld [smem:$0x3FB6]  }
0x3d: {  	_ =	shalt  }
0x3e: {  	_ =	shalt  }
0x3f: {  	_ =	shalt  }
0x40: {  	_ =	shalt  }
0x41: {  	_ =	shalt  }
0x42: {  	_ =	shalt  }
0x43: {  	_ =	shalt  }
0x44: {  	_ =	shalt  }
0x45: {  	_ =	shalt  }
0x46: {  	_ =	shalt  }
0x47: {  	_ =	shalt  }
0x48: {  	_ =	shalt  }
0x49: {  	_ =	shalt  }
0x4a: {  	_ =	shalt  }
0x4b: {  	_ =	shalt  }
0x4c: {  	_ =	shalt  }
0x4d: {  	_ =	shalt  }
0x4e: {  	_ =	shalt  }
0x4f: {  	_ =	shalt  }
0x50: {  	_ =	shalt  }
0x51: {  	_ =	shalt  }
0x52: {  	_ =	shalt  }
0x53: {  	_ =	shalt  }
0x54: {  	_ =	shalt  }
0x55: {  	_ =	shalt  }
0x56: {  	_ =	shalt  }
0x57: {  	_ =	shalt  }
0x58: {  	_ =	shalt  }
0x59: {  	_ =	shalt  }
0x5a: {  	_ =	shalt  }
0x5b: {  	_ =	shalt  }
0x5c: {  	_ =	shalt  }
0x5d: {  	_ =	shalt  }
0x5e: {  	_ =	shalt  }
0x5f: {  	_ =	shalt  }
0x60: {  	_ =	shalt  }
0x61: {  	_ =	shalt  }
0x62: {  	_ =	shalt  }
0x63: {  	_ =	shalt  }
0x64: {  	_ =	shalt  }
0x65: {  	_ =	shalt  }
0x66: {  	_ =	shalt  }
0x67: {  	_ =	shalt  }
0x68: {  	_ =	shalt  }
0x69: {  	_ =	shalt  }
0x6a: {  	_ =	shalt  }
0x6b: {  	_ =	shalt  }
0x6c: {  	_ =	shalt  }
0x6d: {  	_ =	shalt  }
0x6e: {  	_ =	shalt  }
0x6f: {  	_ =	shalt  }
0x70: {  	_ =	shalt  }
0x71: {  	_ =	shalt  }
0x72: {  	_ =	shalt  }
0x73: {  	_ =	shalt  }
0x74: {  	_ =	shalt  }
0x75: {  	_ =	shalt  }
0x76: {  	_ =	shalt  }
0x77: {  	_ =	shalt  }
0x78: {  	_ =	shalt  }
0x79: {  	_ =	shalt  }
0x7a: {  	_ =	shalt  }
0x7b: {  	_ =	shalt  }
0x7c: {  	_ =	shalt  }
0x7d: {  	_ =	shalt  }
0x7e: {  	_ =	shalt  }
0x7f: {  	_ =	shalt  }
0x80: {  	_ =	shalt  }
0x81: {  	_ =	shalt  }
0x82: {  	_ =	shalt  }
0x83: {  	_ =	shalt  }
0x84: {  	_ =	shalt  }
0x85: {  	_ =	shalt  }
0x86: {  	_ =	shalt  }
0x87: {  	_ =	shalt  }
.Lfunc_end0:
.L_simem_size_0:
called_computation.1_lowered:
.L_overlay_start_0:
0x88: {  	s2 =	sld [smem:$0x3FD9]  }
0x89: {  	s3 =	sld [smem:$0x3FFE];
	_ =	sdelay $0x1  }
0x8a: {  	s1 =	srdreg.scid  }
0x8b: {  	s0 =	sand.u32 $0x1, s1  }
0x8c: {  	s17 =	sshll.u32 s0, $0xA;
	s2 =	sadd.s32 s3, s2  }
0x8d: {  	s2 =	sadd.s32 s2, s17  }
0x8e: {  	[smem:$0x3FC2] =	sst s2  }
0x8f: {  	_ = 	snop  }
0x90: {  	s2 =	sld [smem:$0x3FD0];
	(tm) =	ssettm $0x1  }
0x91: {  	s18 =	sld [smem:$0x3FFB];
	_ =	sdelay $0x3  }
0x92: {  	_ =	strace s18  }
0x93: {  	s3 =	sld [smem:$0x3FFC];
	_ =	sdelay $0x3  }
0x94: {  	_ =	strace s3  }
0x95: {  	s3 =	sld [smem:$0x3FFD];
	_ =	sdelay $0x3  }
0x96: {  	_ =	strace s3  }
0x97: {  	_ =	strace $0x8FFFFFFF  }
0x98: {  	s19 =	sld [smem:$0x3FDB];
	_ =	sdelay $0x1  }
0x99: {  	s4 =	simm.s32 $_scs_section_size  }
0x9a: {  	s5 =	simm.s32 $_size__tile_overlayer_lowered;
	s6 =	simm.s32 $_tile_overlayer_lowered  }
0x9b: {  	s22 =	simm.s32 $0x1BFF;
	s21 =	sshll.u32 s6, $0x1;
	s3 =	sadd.s32 s4, s19  }
0x9c: {  	s7 =	simm.s32 $0x0;
	s20 =	sshll.u32 s5, $0x1;
	s5 =	sadd.s32 s21, s3  }
0x9d: {  	[timem:s7], [sflag:s22] =	dma.local [hbm:s5], s20  }
0x9e: {  	_ =	swait.ge [sflag:s22], s20  }
0x9f: {  	s4 =	ssub.s32 $0x0, s20;
	[sflag:s22] =	ssyncset.done $0x0  }
0xa0: {  	[sflag:s22] =	ssyncadd.s32 s4;
	_ =	sdelay $0x1  }
0xa1: {  	s23 =	simm.s32 $0x1B8B  }
0xa2: {  	_ =	swait.ge [sflag:s23], $0x1  }
0xa3: {  	[sflag:s23] =	ssyncset.done $0x0  }
0xa4: {  	s25 =	simm.s32 $0x1B8E;
	s24 =	sld [smem:$0x3FFE];
	[sflag:s23] =	ssyncadd.s32 $0xFFFFFFFF  }
0xa5: {  	s26 =	simm.s32 $execute0_lowered;
	[smem:$0x3FD2] =	sst s25  }
0xa6: {  	s5 =	sshll.u32 s26, $0x1;
	_ =	strace $0x80000049;
	[dreg:$0x1] =	wrdreg $0xFFFFFFFF  }
0xa7: {  	s28 =	simm.s32 $_size_execute0_lowered;
	s3 =	sadd.s32 s3, s5;
	[dreg:$0x0] =	wrdreg $0x0  }
0xa8: {  	s5 =	sshll.u32 s28, $0x1;
	[dreg:$0x2] =	wrdreg s3  }
0xa9: {  	[dreg:$0x3] =	wrdreg s5  }
0xaa: {  	[dreg:$0x4] =	wrdreg $0xC0  }
0xab: {  	_ =	task [dreg:s7], $0x5FFFF  }
0xac: {  	[dreg:$0x1] =	wrdreg $0xFFFFFFFF  }
0xad: {  	[dreg:$0x0] =	wrdreg $0x60  }
0xae: {  	[dreg:$0x2] =	wrdreg s24  }
0xaf: {  	[dreg:$0x3] =	wrdreg s2  }
0xb0: {  	[dreg:$0x4] =	wrdreg $0x120000  }
0xb1: {  	[dreg:$0x5] =	wrdreg $0x9  }
0xb2: {  	_ =	task.clear_ibuf [dreg:s7], $0x6FFFF;
	_ =	strace $0x90000049  }
0xb3: {  	s29 =	simm.s32 $0x9;
	_ =	strace $0x8000004B  }
0xb4: {  	_ =	swait.ge [sflag:s29], $0x1  }
0xb5: {  	[sflag:s29] =	ssyncadd.s32 $0xFFFFFFFF  }
0xb6: {  	_ =	strace $0x9000004B  }
0xb7: {  	_ =	sfence  }
0xb8: {  	s30 =	sld [smem:$0x0];
	_ =	sdelay $0x2  }
0xb9: {  	s31 =	sshll.u32 s1, $0xD;
	s1 =	sshrl.u32 s1, $0x2  }
0xba: {  	s3 =	sand.u32 $0x4000, s31;
	s1 =	sadd.s32 s1, s30  }
0xbb: {  	s0 =	sor.u32 s3, s0;
	s1 =	sshll.u32 s1, $0x11  }
0xbc: {  	s0 =	sor.u32 s1, s0  }
0xbd: {  	s0 =	sadd.s32 $0x8F2B, s0  }
0xbe: {  	[sflag:s0] =	ssyncadd.remote.s32 $0x1  }
0xbf: {  	_ =	sfence.sel $0xFFFF  }
0xc0: {  	[dreg:$0x0] =	wrdreg $0xFFFFFFFF;
	(pc) =	sbr.abs _section_cstart, $3  }
0xc1: {  	[dreg:$0x1] =	wrdreg $0xFFFFFFFF  }
0xc2: {  	_ =	task.clear_ibuf [dreg:s7], $0x2FFFF;
	_ =	strace $0x9FFFFFFF  }
0xc3: {  	(tm) =	ssettm $0x7FFFFFFF  }
tec
execute0_lowered:
.L_overlay_start_1:
0x0: {  	(tag) =	ssettag $0x1  }
0x1: {  	s5 =	rddreg [dreg:$0x0]  }
0x2: {  	s0 =	srdreg.scid;
	s6 =	rddreg [dreg:$0x1]  }
0x3: {  	s2 =	rddreg [dreg:$0x2];
	s7 =	sand.u32 $0x1, s0  }
0x4: {  	s0 =	stileid.u32;
	s4 =	smul.u32 $0x50000, s7  }
0x5: {  	s1 =	rddreg [dreg:$0x3];
	s3 =	simm.s32 $0x0;
	s8 =	smul.u32 $0x5000, s0  }
0x6: {  	[smem:$0x7FF] =	sst s3;
	s9 =	smul.u32 $0x13C00, s7  }
0x7: {  	s17 =	simm.s32 $0x0;
	_ =	strace $0x8000004A;
	s11 =	smul.u32 $0x2780, s0  }
0x8: {  	s12 =	sshll.u32 s0, $0x4;
	s13 =	ssub.s32 $0x2, s7;
	s14 =	smul.u32 $0x4F000, s0  }
0x9: {  	s7 =	sshll.u32 s7, $0x8;
	p0 =	sgt.u32 s0, $0x7;
	s12 =	sadd.s32 s12, s5  }
0xa: {  	s29 =	sshrl.u32 s13, $0x1;
	s16 =	sshll.u32 @!p0 s0, $0x6;
	s4 =	sadd.s32 s8, s4  }
0xb: {  	s9 =	sadd.s32 s11, s9;
	s11 =	ssub.s32 s13, s29;
	s30 =	sshrl.u32 s14, $0x2  }
0xc: {  	s31 =	sadd.s32 s7, s12;
	s14 =	simm.s32 $0x5000;
	s8 =	sshrl.u32 s4, $0x3  }
0xd: {  	s4 =	sadd.s32 $0x2F000, s5;
	s15 =	sadd.s32 s9, s5;
	s13 =	sadd.s32 s30, s2  }
0xe: {  	s10 =	sadd.s32 s8, s5;
	s5 =	sadd.s32 s4, s9;
	s6 =	sadd.s32 s6, s8  }
0xf: {  	s8 =	sadd.s32 $0x2EE00, s31;
	s9 =	sadd.s32 $0x56800, s15;
	s12 =	sshrl.u32 @!p0 s13, $0x3  }
0x10: {  	s13 =	simm.s32 $0x3;
	s15 =	simm.s32 $0x1DE00;
	s7 =	sadd.s32 $0x2600, s10  }
0x11: {  	s10 =	smax.u32 s11, $0x1;
	s11 =	sor.u32 @!p0 $0x1C01, s16;
	s16 =	sor.u32 @!p0 $0x1C03, s16  }
.LBB2_1:
0x12: {  	[spmem:s12], [sflag:s11] =	dma.local @!p0 [hbm:s5], $0x2780  }
0x13: {  	[tilespmem:s3], [sflag:$0x3] =	stream.linear.gather [hbm4b:s6+s3], $0x4F00, $0x38;
	[tilespmem:$0x1DE80] =	vst v63  }
0x14: {  	_ =	swait.ge [sflag:s13], $0x4F00  }
0x15: {  	[sflag:s13] =	ssyncset.done $0x0  }
0x16: {  	[sflag:s13] =	ssyncadd.s32 $0xFFFFB100  }
0x17: {  	[tilespmem:s14], [sflag:$0x3] =	stream.linear.gather [hbm4b:s7+s3], $0x4F00, $0x38;
	[tilespmem:$0x1DE80] =	vst v63  }
0x18: {  	_ =	swait.ge [sflag:s13], $0x4F00  }
0x19: {  	[sflag:s13] =	ssyncset.done $0x0  }
0x1a: {  	[sflag:s13] =	ssyncadd.s32 $0xFFFFB100  }
0x1b: {  	[tilespmem:s15], [sflag:$0x3] =	stream.linear.gather [hbm4b:s8+s3], $0x80, $0x38;
	[tilespmem:$0x1DE80] =	vst v63  }
0x1c: {  	_ =	swait.ge [sflag:s13], $0x80  }
0x1d: {  	[sflag:s13] =	ssyncset.done $0x0  }
0x1e: {  	s18 =	simm.s32 @!p0 $0x1;
	[sflag:s13] =	ssyncadd.s32 $0xFFFFFF80  }
0x1f: {  	_ =	swait.ge @!p0 [sflag:s18], $0x2780  }
0x20: {  	[sflag:s18] =	ssyncset.done @!p0 $0x0  }
0x21: {  	[sflag:s18] =	ssyncadd.s32 @!p0 $0xFFFFD880  }
0x22: {  	[bflag:$0x0] =	sbarrier.arrive $0xFFFF  }
0x23: {  	v0 =	vld [tilespmem:$0x1DE00];
	_ =	sdelay $0x4  }
0x24: {  	(v2sf) =	vpush v0, $0x0;
	_ =	sdelay $0xe  }
0x25: {  	s18 =	spop (v2sf)  }
0x26: {  	p1 =	slt.s32 s18, $0x1;
	p2 =	sle.s32 s18, $0x0  }
0x27: {  	s19 =	simm.s32 @!p1 $0x80;
	s20 =	simm.s32 @!p1 $0x0;
	s21 =	simm.s32 @!p1 $0xA000  }
0x28: {  	[tilespmem:s21], [sflag:$0x1] =	stream.indirect.gather @!p1 [hbm4b:s4+s19], $0x80, s20, s19, $0xb8;
	[tilespmem:$0x1DE80] =	vst v63  }
0x29: {  	p1 =	sle.u32 @!p2 s18, $0x1  }
0x2a: {  	s19 =	simm.s32 @!p2 $0x1;
	p1 =	por p1, p2  }
0x2b: {  	s20 =	simm.s32 @!p1 $0x80;
	s21 =	simm.s32 @!p1 $0x80;
	s22 =	simm.s32 @!p1 $0xE000  }
0x2c: {  	[tilespmem:s22], [sflag:$0x2] =	stream.indirect.gather @!p1 [hbm4b:s4+s21], $0x80, s20, s21, $0xb8;
	[tilespmem:$0x1DE80] =	vst v63  }
0x2d: {  	s23 =	simm.s32 @!p2 $0x80;
	p3 =	sle.u32 @!p2 s18, $0x2;
	_ =	swait.ge @!p2 [sflag:s19], $0x4000  }
0x2e: {  	s24 =	simm.s32 @!p2 $0x4;
	p3 =	por p3, p2;
	[sflag:s19] =	ssyncset.done @!p2 $0x0  }
0x2f: {  	s20 =	simm.s32 @!p2 $0x5000;
	[sflag:s19] =	ssyncadd.s32 @!p2 $0xFFFFC000;
	s19 =	simm.s32 @!p2 $0xA000  }
0x30: {  	[spmem:s2] =	stream.indirect.scatter.add.f32 @!p2 [tilespmem:s19], [sflag:$0x4], $0x80, s20, s23, $0xb8;
	[tilespmem:$0x1DE80] =	vst v63  }
0x31: {  	s19 =	simm.s32 @!p3 $0x80;
	_ =	swait.ge @!p2 [sflag:s24], $0x4000  }
0x32: {  	s20 =	simm.s32 @!p3 $0xA000;
	s23 =	simm.s32 @!p1 $0x2;
	[sflag:s24] =	ssyncset.done @!p2 $0x0  }
0x33: {  	[sflag:s24] =	ssyncadd.s32 @!p2 $0xFFFFC000;
	s24 =	simm.s32 @!p3 $0x100;
	p2 =	por p1, p1  }
0x34: {  	[tilespmem:s20], [sflag:$0x1] =	stream.indirect.gather @!p3 [hbm4b:s4+s19], $0x80, s24, s19, $0xb8;
	[tilespmem:$0x1DE80] =	vst v63  }
0x35: {  	_ =	swait.ge @!p2 [sflag:s23], $0x4000  }
0x36: {  	s19 =	simm.s32 $0x400;
	s20 =	simm.s32 $0x800;
	[sflag:s23] =	ssyncset.done @!p2 $0x0  }
0x37: {  	s24 =	simm.s32 @!p1 $0x5080;
	p1 =	sle.s32 s18, $0x2;
	[sflag:s23] =	ssyncadd.s32 @!p2 $0xFFFFC000  }
0x38: {  	[spmem:s2] =	stream.indirect.scatter.add.f32 @!p2 [tilespmem:s22], [sflag:$0x3], $0x80, s24, s21, $0xb8;
	[tilespmem:$0x1DE80] =	vst v63  }
0x39: {  	p3 =	sle.u32 @!p1 s18, $0x3;
	s23 =	simm.s32 @!p2 $0x3;
	s21 =	simm.s32 $0x2  }
0x3a: {  	s24 =	simm.s32 @!p1 $0x100;
	s22 =	simm.s32 @!p1 $0x4;
	_ =	swait.ge @!p2 [sflag:s23], $0x4000  }
.LBB2_2:
0x3b: {  	p3 =	por p3, p1  }
0x3c: {  	s24 =	sadd.s32 @!p1 $0x5000, s24;
	[sflag:s23] =	ssyncset.done @!p2 $0x0;
	s25 =	smov.u32 s20  }
0x3d: {  	s28 =	simm.s32 @!p1 $0x1;
	s26 =	sshra.s32 @!p3 s19, $0x2;
	[sflag:s23] =	ssyncadd.s32 @!p2 $0xFFFFC000  }
0x3e: {  	s29 =	simm.s32 @!p3 $0x80;
	s30 =	simm.s32 @!p3 $0xE000;
	s23 =	sadd.s32 @!p3 $0x80, s26  }
0x3f: {  	[tilespmem:s30], [sflag:$0x2] =	stream.indirect.gather @!p3 [hbm4b:s4+s29], $0x80, s23, s29, $0xb8;
	[tilespmem:$0x1DE80] =	vst v63  }
0x40: {  	s20 =	sadd.s32 $0x400, s20;
	s26 =	sadd.s32 @!p3 $0x5080, s26;
	_ =	swait.ge @!p1 [sflag:s28], $0x4000  }
0x41: {  	p2 =	sge.u32 @!p1 s22, s18;
	s23 =	simm.s32 @!p1 $0x80;
	[sflag:s28] =	ssyncset.done @!p1 $0x0  }
0x42: {  	s22 =	simm.s32 @!p1 $0xA000;
	[sflag:s28] =	ssyncadd.s32 @!p1 $0xFFFFC000;
	s28 =	simm.s32 @!p1 $0x4  }
0x43: {  	[spmem:s2] =	stream.indirect.scatter.add.f32 @!p1 [tilespmem:s22], [sflag:$0x4], $0x80, s24, s23, $0xb8;
	[tilespmem:$0x1DE80] =	vst v63  }
0x44: {  	p4 =	sne.s32 s20, $0x13C00;
	p5 =	por p2, p1;
	_ =	swait.ge @!p1 [sflag:s28], $0x4000  }
0x45: {  	s22 =	simm.s32 @!p5 $0x80;
	s23 =	simm.s32 @!p5 $0xA000;
	[sflag:s28] =	ssyncset.done @!p1 $0x0  }
0x46: {  	s19 =	sshra.s32 @!p5 s19, $0x2;
	[sflag:s28] =	ssyncadd.s32 @!p1 $0xFFFFC000;
	s28 =	simm.s32 @!p3 $0x2  }
0x47: {  	p2 =	por p3, p3;
	s24 =	sadd.s32 @!p5 $0x100, s19;
	s19 =	smov.u32 s25  }
0x48: {  	[tilespmem:s23], [sflag:$0x1] =	stream.indirect.gather @!p5 [hbm4b:s4+s22], $0x80, s24, s22, $0xb8;
	[tilespmem:$0x1DE80] =	vst v63  }
.Ltmp0:
0x49: {  	s21 =	sadd.s32 $0x2, s21;
	_ =	swait.ge @!p2 [sflag:s28], $0x4000;
	(pc) =	sbr.rel @p4 .LBB2_2-.Ltmp0, $4  }
0x4a: {  	p1 =	sge.s32 s21, s18;
	s23 =	simm.s32 @!p2 $0x3;
	[sflag:s28] =	ssyncset.done @!p2 $0x0  }
0x4b: {  	s22 =	sadd.s32 @!p1 $0x1, s21;
	s24 =	sshra.s32 @!p1 s19, $0x2;
	[sflag:s28] =	ssyncadd.s32 @!p2 $0xFFFFC000  }
0x4c: {  	[spmem:s2] =	stream.indirect.scatter.add.f32 @!p2 [tilespmem:s30], [sflag:$0x3], $0x80, s26, s29, $0xb8;
	[tilespmem:$0x1DE80] =	vst v63  }
0x4d: {  	p3 =	sge.u32 @!p1 s22, s18;
	s22 =	sadd.s32 @!p1 $0x2, s21;
	_ =	swait.ge @!p2 [sflag:s23], $0x4000  }
0x4e: {  	p3 =	por p3, p1;
	[sflag:s23] =	ssyncset.done @!p2 $0x0  }
0x4f: {  	s21 =	simm.s32 @!p1 $0x1;
	s20 =	sshra.s32 @!p3 s19, $0x2;
	[sflag:s23] =	ssyncadd.s32 @!p2 $0xFFFFC000  }
0x50: {  	s25 =	simm.s32 @!p3 $0x80;
	s26 =	simm.s32 @!p3 $0xE000;
	s23 =	sadd.s32 @!p3 $0x80, s20  }
0x51: {  	[tilespmem:s26], [sflag:$0x2] =	stream.indirect.gather @!p3 [hbm4b:s4+s25], $0x80, s23, s25, $0xb8;
	[tilespmem:$0x1DE80] =	vst v63  }
0x52: {  	p2 =	sge.u32 @!p1 s22, s18;
	s18 =	simm.s32 @!p1 $0xA000;
	_ =	swait.ge @!p1 [sflag:s21], $0x4000  }
0x53: {  	p2 =	por p2, p1;
	s23 =	sadd.s32 @!p1 $0x5000, s24;
	[sflag:s21] =	ssyncset.done @!p1 $0x0  }
0x54: {  	s24 =	simm.s32 @!p1 $0x80;
	[sflag:s21] =	ssyncadd.s32 @!p1 $0xFFFFC000;
	s21 =	simm.s32 @!p1 $0x4  }
0x55: {  	[spmem:s2] =	stream.indirect.scatter.add.f32 @!p1 [tilespmem:s18], [sflag:$0x4], $0x80, s23, s24, $0xb8;
	[tilespmem:$0x1DE80] =	vst v63  }
0x56: {  	s22 =	simm.s32 @!p2 $0xA000;
	s19 =	sshra.s32 @!p2 s19, $0x2;
	_ =	swait.ge @!p1 [sflag:s21], $0x4000  }
0x57: {  	s19 =	sadd.s32 @!p2 $0x100, s19;
	s18 =	simm.s32 @!p2 $0x80;
	[sflag:s21] =	ssyncset.done @!p1 $0x0  }
0x58: {  	[sflag:s21] =	ssyncadd.s32 @!p1 $0xFFFFC000;
	s21 =	simm.s32 @!p3 $0x2;
	p1 =	por p3, p3  }
0x59: {  	[tilespmem:s22], [sflag:$0x1] =	stream.indirect.gather @!p2 [hbm4b:s4+s18], $0x80, s19, s18, $0xb8;
	[tilespmem:$0x1DE80] =	vst v63  }
0x5a: {  	_ =	swait.ge @!p1 [sflag:s21], $0x4000  }
0x5b: {  	[sflag:s21] =	ssyncset.done @!p1 $0x0  }
0x5c: {  	s18 =	sadd.s32 @!p3 $0x5080, s20;
	s19 =	simm.s32 @!p1 $0x3;
	[sflag:s21] =	ssyncadd.s32 @!p1 $0xFFFFC000  }
0x5d: {  	[spmem:s2] =	stream.indirect.scatter.add.f32 @!p1 [tilespmem:s26], [sflag:$0x3], $0x80, s18, s25, $0xb8;
	[tilespmem:$0x1DE80] =	vst v63  }
0x5e: {  	_ =	swait.ge @!p1 [sflag:s19], $0x4000  }
0x5f: {  	s17 =	sadd.s32 $0x1, s17;
	[sflag:s19] =	ssyncset.done @!p1 $0x0  }
0x60: {  	[sflag:s19] =	ssyncadd.s32 @!p1 $0xFFFFC000;
	p1 =	sne.s32 s17, s10  }
.Ltmp1:
0x61: {  	s18 =	simm.s32 @!p0 $0x3;
	[bflag:$0x0] =	sbarrier.arrive $0xFFFF;
	(pc) =	sbr.rel @p1 .LBB2_1-.Ltmp1, $4  }
0x62: {  	[hbm:s9], [sflag:s16] =	dma.local @!p0 [spmem:s12], $0x2780  }
0x63: {  	_ =	swait.ge @!p0 [sflag:s18], $0x2780  }
0x64: {  	[sflag:s18] =	ssyncset.done @!p0 $0x0  }
0x65: {  	[sflag:s18] =	ssyncadd.s32 @!p0 $0xFFFFD880  }
0x66: {  	_ =	sfence.sel $0x180000  }
0x67: {  	[bflag:$0x0] =	sbarrier.arrive $0xFFFF  }
0x68: {  	p0 =	sne.s32 s0, $0x0;
	_ =	strace $0x9000004A  }
0x69: {  	s0 =	sadd.s32 @!p0 $0x100000, s1;
	[bflag:$0x2] =	sbarrier.arrive $0xFFFF  }
0x6a: {  	[sflag:s0] =	ssyncadd.tile.s32 @!p0 $0x1;
	_ =	shalt  }
.Lfunc_end2:
_tile_overlayer_lowered:
.L_overlay_start_2:
0x6b: {  	(tag) =	ssettag $0x2  }
0x6c: {  	s0 =	rddreg [dreg:$0x0];
	s2 =	stileid.u32  }
0x6d: {  	s1 =	rddreg [dreg:$0x1];
	p0 =	sne.s32 s2, $0x0  }
0x6e: {  	s3 =	rddreg [dreg:$0x2];
	[bflag:$0x3] =	sbarrier.arrive $0xFFFF;
	s2 =	simm.s32 @!p0 $0x1C03  }
0x6f: {  	[timem:s3], [sflag:s2] =	dma.local @!p0 [hbm:s0], s1  }
0x70: {  	s0 =	simm.s32 @!p0 $0x3  }
0x71: {  	_ =	swait.ge @!p0 [sflag:s0], s1  }
0x72: {  	s1 =	ssub.s32 @!p0 $0x0, s1;
	[sflag:s0] =	ssyncset.done @!p0 $0x0  }
0x73: {  	[sflag:s0] =	ssyncadd.s32 @!p0 s1  }
0x74: {  	[bflag:$0x3] =	sbarrier.arrive $0xFFFF  }
0x75: {  	_ =	shalt  }

// kernel: kernel.15.cloned.1.call-start
scs
__scs_entry_jumppad:
0x0: {  	(pc) =	sbr.rel $0x88, $3  }
0x1: {  	(tag) =	ssettag $0x0;
	lr =	simm.s32 $0x1  }
0x2: {  	[smem:$0x3F9B] =	sst lr;
	_ =	strace $0xD0000000  }
0x3: {  	_ = 	snop  }
0x4: {  	_ = 	snop  }
0x5: {  	_ = 	snop  }
0x6: {  	_ = 	snop  }
0x7: {  	_ = 	snop  }
__scs_overlays_trampoline_lowered:
0x8: {  	[smem:$0x3FAA] =	sst s0  }
0x9: {  	[smem:$0x3FAB] =	sst s1  }
0xa: {  	[smem:$0x3FAC] =	sst s2  }
0xb: {  	[smem:$0x3FAD] =	sst s3  }
0xc: {  	[smem:$0x3FAE] =	sst s4  }
0xd: {  	[smem:$0x3FAF] =	sst s5  }
0xe: {  	[smem:$0x3FB0] =	sst s6  }
0xf: {  	[smem:$0x3FB1] =	sst s7  }
0x10: {  	[smem:$0x3FB2] =	sst s8  }
0x11: {  	[smem:$0x3FB3] =	sst s9;
	s0 =	simm.s32 @!p0 $0x0  }
0x12: {  	s1 =	sld [smem:$0x3F99];
	s0 =	simm.s32 @p0 $0x1  }
0x13: {  	[smem:$0x3FB4] =	sst s0;
	s0 =	simm.s32 @!p1 $0x0  }
0x14: {  	s2 =	sld [smem:$0x3F98];
	s0 =	simm.s32 @p1 $0x1  }
0x15: {  	[smem:$0x3FB5] =	sst s0;
	s0 =	simm.s32 @!p2 $0x0  }
0x16: {  	s3 =	sld [smem:$0x3FDB];
	s0 =	simm.s32 @p2 $0x1  }
0x17: {  	s4 =	simm.s32 $0x1BF5;
	[smem:$0x3FB7] =	sst s0  }
0x18: {  	s0 =	sld [smem:$0x3F9A];
	_ =	swait.ge [sflag:s4], $0x0  }
0x19: {  	s7 =	sld [smem:$0x3F9B]  }
0x1a: {  	s8 =	sadd.s32 $0xFFFFE003, lr  }
0x1b: {  	s9 =	sadd.s32 $0xFFFFFEF7, lr;
	s5 =	simm.s32 $0xFFFFFFFF;
	p2 =	slt.u32 s8, $0xFFFFF086  }
0x1c: {  	p1 =	slt.u32 s9, $0xF7A;
	s5 =	simm.s32 @!p2 $0x0  }
0x1d: {  	s5 =	simm.s32 @p1 $0x1;
	p0 =	seq.s32 s7, s2  }
0x1e: {  	s7 =	smul.u32 @!p0 $0xF7A, s2;
	p2 =	seq.s32 @!p0 s5, $0x0  }
0x1f: {  	s9 =	smul.u32 $0xF7A, s1;
	s8 =	simm.s32 @!p0 $0x1BF5;
	p2 =	por !p2, p0  }
0x20: {  	[sflag:s8] =	ssyncset.s32 @!p0 $0xFFFFF086;
	s6 =	sadd.s32 @!p0 s3, s7;
	s7 =	simm.s32 @!p0 $0x108  }
0x21: {  	s3 =	sadd.s32 s3, s9;
	s6 =	sadd.s32 @!p0 $0x88, s6;
	s7 =	simm.s32 @p2 $0x1082  }
0x22: {  	[simem:s7], [sflag:s8] =	dma.local @!p0 [hbm:s6], $0xF7A  }
0x23: {  	s9 =	sor.u32 $0xD0000000, s2;
	s6 =	simm.s32 $0x108;
	_ =	swait.ge @!p0 [sflag:s8], $0x0  }
0x24: {  	s3 =	sadd.s32 $0x88, s3;
	s6 =	simm.s32 @!p1 $0x1082;
	[sflag:s4] =	ssyncset.s32 $0xFFFFF086  }
0x25: {  	[simem:s6], [sflag:s4] =	dma.local [hbm:s3], $0xF7A  }
0x26: {  	[smem:$0x3F9B] =	sst s1;
	(tag) =	ssettag s2;
	_ =	strace s9  }
0x27: {  	s1 =	sld [smem:$0x3FAB]  }
0x28: {  	s2 =	sld [smem:$0x3FAC]  }
0x29: {  	s4 =	sld [smem:$0x3FAE]  }
0x2a: {  	p0 =	seq.s32 s5, $0x0;
	s5 =	sld [smem:$0x3FAF]  }
0x2b: {  	s6 =	sld [smem:$0x3FB0]  }
0x2c: {  	s7 =	sld [smem:$0x3FB1]  }
0x2d: {  	s3 =	simm.s32 $0x108;
	s8 =	sld [smem:$0x3FB2]  }
0x2e: {  	s3 =	simm.s32 @!p0 $0x1082;
	s9 =	sld [smem:$0x3FB3]  }
0x2f: {  	lr =	sadd.s32 s0, s3;
	s0 =	sld [smem:$0x3FAA]  }
0x30: {  	s3 =	sld [smem:$0x3FAD]  }
0x31: {  	[smem:$0x3FB6] =	sst s10  }
0x32: {  	s10 =	sld [smem:$0x3FB4];
	_ =	sdelay $0x3  }
0x33: {  	p0 =	seq.s32 s10, $0x1;
	s10 =	sld [smem:$0x3FB6];
	_ =	sdelay $0x3  }
0x34: {  	[smem:$0x3FB6] =	sst s10  }
0x35: {  	s10 =	sld [smem:$0x3FB5];
	_ =	sdelay $0x3  }
0x36: {  	p1 =	seq.s32 s10, $0x1;
	s10 =	sld [smem:$0x3FB6];
	_ =	sdelay $0x3  }
0x37: {  	[smem:$0x3FB6] =	sst s10  }
0x38: {  	s10 =	sld [smem:$0x3FB7]  }
0x39: {  	_ = 	snop;
	(pc) =	sbr.ind lr, $3  }
0x3a: {  	_ = 	snop  }
0x3b: {  	_ = 	snop  }
0x3c: {  	p2 =	seq.s32 s10, $0x1;
	s10 =	sld [smem:$0x3FB6]  }
0x3d: {  	_ =	shalt  }
0x3e: {  	_ =	shalt  }
0x3f: {  	_ =	shalt  }
0x40: {  	_ =	shalt  }
0x41: {  	_ =	shalt  }
0x42: {  	_ =	shalt  }
0x43: {  	_ =	shalt  }
0x44: {  	_ =	shalt  }
0x45: {  	_ =	shalt  }
0x46: {  	_ =	shalt  }
0x47: {  	_ =	shalt  }
0x48: {  	_ =	shalt  }
0x49: {  	_ =	shalt  }
0x4a: {  	_ =	shalt  }
0x4b: {  	_ =	shalt  }
0x4c: {  	_ =	shalt  }
0x4d: {  	_ =	shalt  }
0x4e: {  	_ =	shalt  }
0x4f: {  	_ =	shalt  }
0x50: {  	_ =	shalt  }
0x51: {  	_ =	shalt  }
0x52: {  	_ =	shalt  }
0x53: {  	_ =	shalt  }
0x54: {  	_ =	shalt  }
0x55: {  	_ =	shalt  }
0x56: {  	_ =	shalt  }
0x57: {  	_ =	shalt  }
0x58: {  	_ =	shalt  }
0x59: {  	_ =	shalt  }
0x5a: {  	_ =	shalt  }
0x5b: {  	_ =	shalt  }
0x5c: {  	_ =	shalt  }
0x5d: {  	_ =	shalt  }
0x5e: {  	_ =	shalt  }
0x5f: {  	_ =	shalt  }
0x60: {  	_ =	shalt  }
0x61: {  	_ =	shalt  }
0x62: {  	_ =	shalt  }
0x63: {  	_ =	shalt  }
0x64: {  	_ =	shalt  }
0x65: {  	_ =	shalt  }
0x66: {  	_ =	shalt  }
0x67: {  	_ =	shalt  }
0x68: {  	_ =	shalt  }
0x69: {  	_ =	shalt  }
0x6a: {  	_ =	shalt  }
0x6b: {  	_ =	shalt  }
0x6c: {  	_ =	shalt  }
0x6d: {  	_ =	shalt  }
0x6e: {  	_ =	shalt  }
0x6f: {  	_ =	shalt  }
0x70: {  	_ =	shalt  }
0x71: {  	_ =	shalt  }
0x72: {  	_ =	shalt  }
0x73: {  	_ =	shalt  }
0x74: {  	_ =	shalt  }
0x75: {  	_ =	shalt  }
0x76: {  	_ =	shalt  }
0x77: {  	_ =	shalt  }
0x78: {  	_ =	shalt  }
0x79: {  	_ =	shalt  }
0x7a: {  	_ =	shalt  }
0x7b: {  	_ =	shalt  }
0x7c: {  	_ =	shalt  }
0x7d: {  	_ =	shalt  }
0x7e: {  	_ =	shalt  }
0x7f: {  	_ =	shalt  }
0x80: {  	_ =	shalt  }
0x81: {  	_ =	shalt  }
0x82: {  	_ =	shalt  }
0x83: {  	_ =	shalt  }
0x84: {  	_ =	shalt  }
0x85: {  	_ =	shalt  }
0x86: {  	_ =	shalt  }
0x87: {  	_ =	shalt  }
.Lfunc_end0:
.L_simem_size_0:
called_computation.2_lowered:
.L_overlay_start_0:
0x88: {  	s2 =	sld [smem:$0x3FD9]  }
0x89: {  	s3 =	sld [smem:$0x3FFE];
	_ =	sdelay $0x1  }
0x8a: {  	s1 =	srdreg.scid  }
0x8b: {  	s0 =	sand.u32 $0x1, s1  }
0x8c: {  	s17 =	sshll.u32 s0, $0xA;
	s2 =	sadd.s32 s3, s2  }
0x8d: {  	s2 =	sadd.s32 s2, s17  }
0x8e: {  	[smem:$0x3FC2] =	sst s2  }
0x8f: {  	_ = 	snop  }
0x90: {  	s2 =	sld [smem:$0x3FD0];
	(tm) =	ssettm $0x1  }
0x91: {  	s18 =	sld [smem:$0x3FFB];
	_ =	sdelay $0x3  }
0x92: {  	_ =	strace s18  }
0x93: {  	s3 =	sld [smem:$0x3FFC];
	_ =	sdelay $0x3  }
0x94: {  	_ =	strace s3  }
0x95: {  	s3 =	sld [smem:$0x3FFD];
	_ =	sdelay $0x3  }
0x96: {  	_ =	strace s3  }
0x97: {  	_ =	strace $0x8FFFFFFF  }
0x98: {  	s19 =	sld [smem:$0x3FDB];
	_ =	sdelay $0x1  }
0x99: {  	s4 =	simm.s32 $_scs_section_size  }
0x9a: {  	s5 =	simm.s32 $_size__tile_overlayer_lowered;
	s6 =	simm.s32 $_tile_overlayer_lowered  }
0x9b: {  	s22 =	simm.s32 $0x1BFF;
	s21 =	sshll.u32 s6, $0x1;
	s3 =	sadd.s32 s4, s19  }
0x9c: {  	s7 =	simm.s32 $0x0;
	s20 =	sshll.u32 s5, $0x1;
	s5 =	sadd.s32 s21, s3  }
0x9d: {  	[timem:s7], [sflag:s22] =	dma.local [hbm:s5], s20  }
0x9e: {  	_ =	swait.ge [sflag:s22], s20  }
0x9f: {  	s4 =	ssub.s32 $0x0, s20;
	[sflag:s22] =	ssyncset.done $0x0  }
0xa0: {  	[sflag:s22] =	ssyncadd.s32 s4;
	_ =	sdelay $0x1  }
0xa1: {  	s23 =	simm.s32 $0x1B8B  }
0xa2: {  	_ =	swait.ge [sflag:s23], $0x1  }
0xa3: {  	[sflag:s23] =	ssyncset.done $0x0  }
0xa4: {  	s25 =	simm.s32 $0x1B8E;
	s24 =	sld [smem:$0x3FFE];
	[sflag:s23] =	ssyncadd.s32 $0xFFFFFFFF  }
0xa5: {  	s26 =	simm.s32 $execute0_lowered;
	[smem:$0x3FD2] =	sst s25  }
0xa6: {  	s5 =	sshll.u32 s26, $0x1;
	_ =	strace $0x8000004C;
	[dreg:$0x1] =	wrdreg $0xFFFFFFFF  }
0xa7: {  	s28 =	simm.s32 $_size_execute0_lowered;
	s3 =	sadd.s32 s3, s5;
	[dreg:$0x0] =	wrdreg $0x0  }
0xa8: {  	s5 =	sshll.u32 s28, $0x1;
	[dreg:$0x2] =	wrdreg s3  }
0xa9: {  	[dreg:$0x3] =	wrdreg s5  }
0xaa: {  	[dreg:$0x4] =	wrdreg $0xC0  }
0xab: {  	_ =	task [dreg:s7], $0x5FFFF  }
0xac: {  	[dreg:$0x1] =	wrdreg $0xFFFFFFFF  }
0xad: {  	[dreg:$0x0] =	wrdreg $0x60  }
0xae: {  	[dreg:$0x2] =	wrdreg s24  }
0xaf: {  	[dreg:$0x3] =	wrdreg s2  }
0xb0: {  	[dreg:$0x4] =	wrdreg $0x120000  }
0xb1: {  	[dreg:$0x5] =	wrdreg $0x9  }
0xb2: {  	_ =	task.clear_ibuf [dreg:s7], $0x6FFFF;
	_ =	strace $0x9000004C  }
0xb3: {  	s29 =	simm.s32 $0x9;
	_ =	strace $0x8000004E  }
0xb4: {  	_ =	swait.ge [sflag:s29], $0x1  }
0xb5: {  	[sflag:s29] =	ssyncadd.s32 $0xFFFFFFFF  }
0xb6: {  	_ =	strace $0x9000004E  }
0xb7: {  	_ =	sfence  }
0xb8: {  	s30 =	sld [smem:$0x0];
	_ =	sdelay $0x2  }
0xb9: {  	s31 =	sshll.u32 s1, $0xD;
	s1 =	sshrl.u32 s1, $0x2  }
0xba: {  	s3 =	sand.u32 $0x4000, s31;
	s1 =	sadd.s32 s1, s30  }
0xbb: {  	s0 =	sor.u32 s3, s0;
	s1 =	sshll.u32 s1, $0x11  }
0xbc: {  	s0 =	sor.u32 s1, s0  }
0xbd: {  	s0 =	sadd.s32 $0x8F2B, s0  }
0xbe: {  	[sflag:s0] =	ssyncadd.remote.s32 $0x1  }
0xbf: {  	_ =	sfence.sel $0xFFFF  }
0xc0: {  	[dreg:$0x0] =	wrdreg $0xFFFFFFFF;
	(pc) =	sbr.abs _section_cstart, $3  }
0xc1: {  	[dreg:$0x1] =	wrdreg $0xFFFFFFFF  }
0xc2: {  	_ =	task.clear_ibuf [dreg:s7], $0x2FFFF;
	_ =	strace $0x9FFFFFFF  }
0xc3: {  	(tm) =	ssettm $0x7FFFFFFF  }
tec
execute0_lowered:
.L_overlay_start_1:
0x0: {  	(tag) =	ssettag $0x1  }
0x1: {  	s5 =	rddreg [dreg:$0x0]  }
0x2: {  	s0 =	srdreg.scid;
	s6 =	rddreg [dreg:$0x1]  }
0x3: {  	s2 =	rddreg [dreg:$0x2];
	s7 =	sand.u32 $0x1, s0  }
0x4: {  	s0 =	stileid.u32;
	s4 =	smul.u32 $0x50000, s7  }
0x5: {  	s1 =	rddreg [dreg:$0x3];
	s3 =	simm.s32 $0x0;
	s8 =	smul.u32 $0x5000, s0  }
0x6: {  	[smem:$0x7FF] =	sst s3;
	s9 =	smul.u32 $0x13C00, s7  }
0x7: {  	s17 =	simm.s32 $0x0;
	_ =	strace $0x8000004D;
	s11 =	smul.u32 $0x2780, s0  }
0x8: {  	s12 =	sshll.u32 s0, $0x4;
	s13 =	ssub.s32 $0x2, s7;
	s14 =	smul.u32 $0x4F000, s0  }
0x9: {  	s7 =	sshll.u32 s7, $0x8;
	p0 =	sgt.u32 s0, $0x7;
	s12 =	sadd.s32 s12, s5  }
0xa: {  	s29 =	sshrl.u32 s13, $0x1;
	s16 =	sshll.u32 @!p0 s0, $0x6;
	s4 =	sadd.s32 s8, s4  }
0xb: {  	s9 =	sadd.s32 s11, s9;
	s11 =	ssub.s32 s13, s29;
	s30 =	sshrl.u32 s14, $0x2  }
0xc: {  	s31 =	sadd.s32 s7, s12;
	s14 =	simm.s32 $0x5000;
	s8 =	sshrl.u32 s4, $0x3  }
0xd: {  	s4 =	sadd.s32 $0x2F000, s5;
	s15 =	sadd.s32 s9, s5;
	s13 =	sadd.s32 s30, s2  }
0xe: {  	s10 =	sadd.s32 s8, s5;
	s5 =	sadd.s32 s4, s9;
	s6 =	sadd.s32 s6, s8  }
0xf: {  	s8 =	sadd.s32 $0x2EE00, s31;
	s9 =	sadd.s32 $0x56800, s15;
	s12 =	sshrl.u32 @!p0 s13, $0x3  }
0x10: {  	s13 =	simm.s32 $0x3;
	s15 =	simm.s32 $0x1DE00;
	s7 =	sadd.s32 $0x2600, s10  }
0x11: {  	s10 =	smax.u32 s11, $0x1;
	s11 =	sor.u32 @!p0 $0x1C01, s16;
	s16 =	sor.u32 @!p0 $0x1C03, s16  }
.LBB2_1:
0x12: {  	[spmem:s12], [sflag:s11] =	dma.local @!p0 [hbm:s5], $0x2780  }
0x13: {  	[tilespmem:s3], [sflag:$0x3] =	stream.linear.gather [hbm4b:s6+s3], $0x4F00, $0x38;
	[tilespmem:$0x1DE80] =	vst v63  }
0x14: {  	_ =	swait.ge [sflag:s13], $0x4F00  }
0x15: {  	[sflag:s13] =	ssyncset.done $0x0  }
0x16: {  	[sflag:s13] =	ssyncadd.s32 $0xFFFFB100  }
0x17: {  	[tilespmem:s14], [sflag:$0x3] =	stream.linear.gather [hbm4b:s7+s3], $0x4F00, $0x38;
	[tilespmem:$0x1DE80] =	vst v63  }
0x18: {  	_ =	swait.ge [sflag:s13], $0x4F00  }
0x19: {  	[sflag:s13] =	ssyncset.done $0x0  }
0x1a: {  	[sflag:s13] =	ssyncadd.s32 $0xFFFFB100  }
0x1b: {  	[tilespmem:s15], [sflag:$0x3] =	stream.linear.gather [hbm4b:s8+s3], $0x80, $0x38;
	[tilespmem:$0x1DE80] =	vst v63  }
0x1c: {  	_ =	swait.ge [sflag:s13], $0x80  }
0x1d: {  	[sflag:s13] =	ssyncset.done $0x0  }
0x1e: {  	s18 =	simm.s32 @!p0 $0x1;
	[sflag:s13] =	ssyncadd.s32 $0xFFFFFF80  }
0x1f: {  	_ =	swait.ge @!p0 [sflag:s18], $0x2780  }
0x20: {  	[sflag:s18] =	ssyncset.done @!p0 $0x0  }
0x21: {  	[sflag:s18] =	ssyncadd.s32 @!p0 $0xFFFFD880  }
0x22: {  	[bflag:$0x0] =	sbarrier.arrive $0xFFFF  }
0x23: {  	v0 =	vld [tilespmem:$0x1DE00];
	_ =	sdelay $0x4  }
0x24: {  	(v2sf) =	vpush v0, $0x0;
	_ =	sdelay $0xe  }
0x25: {  	s18 =	spop (v2sf)  }
0x26: {  	p1 =	slt.s32 s18, $0x1;
	p2 =	sle.s32 s18, $0x0  }
0x27: {  	s19 =	simm.s32 @!p1 $0x80;
	s20 =	simm.s32 @!p1 $0x0;
	s21 =	simm.s32 @!p1 $0xA000  }
0x28: {  	[tilespmem:s21], [sflag:$0x1] =	stream.indirect.gather @!p1 [hbm4b:s4+s19], $0x80, s20, s19, $0xb8;
	[tilespmem:$0x1DE80] =	vst v63  }
0x29: {  	p1 =	sle.u32 @!p2 s18, $0x1  }
0x2a: {  	s19 =	simm.s32 @!p2 $0x1;
	p1 =	por p1, p2  }
0x2b: {  	s20 =	simm.s32 @!p1 $0x80;
	s21 =	simm.s32 @!p1 $0x80;
	s22 =	simm.s32 @!p1 $0xE000  }
0x2c: {  	[tilespmem:s22], [sflag:$0x2] =	stream.indirect.gather @!p1 [hbm4b:s4+s21], $0x80, s20, s21, $0xb8;
	[tilespmem:$0x1DE80] =	vst v63  }
0x2d: {  	s23 =	simm.s32 @!p2 $0x80;
	p3 =	sle.u32 @!p2 s18, $0x2;
	_ =	swait.ge @!p2 [sflag:s19], $0x4000  }
0x2e: {  	s24 =	simm.s32 @!p2 $0x4;
	p3 =	por p3, p2;
	[sflag:s19] =	ssyncset.done @!p2 $0x0  }
0x2f: {  	s20 =	simm.s32 @!p2 $0x5000;
	[sflag:s19] =	ssyncadd.s32 @!p2 $0xFFFFC000;
	s19 =	simm.s32 @!p2 $0xA000  }
0x30: {  	[spmem:s2] =	stream.indirect.scatter.add.f32 @!p2 [tilespmem:s19], [sflag:$0x4], $0x80, s20, s23, $0xb8;
	[tilespmem:$0x1DE80] =	vst v63  }
0x31: {  	s19 =	simm.s32 @!p3 $0x80;
	_ =	swait.ge @!p2 [sflag:s24], $0x4000  }
0x32: {  	s20 =	simm.s32 @!p3 $0xA000;
	s23 =	simm.s32 @!p1 $0x2;
	[sflag:s24] =	ssyncset.done @!p2 $0x0  }
0x33: {  	[sflag:s24] =	ssyncadd.s32 @!p2 $0xFFFFC000;
	s24 =	simm.s32 @!p3 $0x100;
	p2 =	por p1, p1  }
0x34: {  	[tilespmem:s20], [sflag:$0x1] =	stream.indirect.gather @!p3 [hbm4b:s4+s19], $0x80, s24, s19, $0xb8;
	[tilespmem:$0x1DE80] =	vst v63  }
0x35: {  	_ =	swait.ge @!p2 [sflag:s23], $0x4000  }
0x36: {  	s19 =	simm.s32 $0x400;
	s20 =	simm.s32 $0x800;
	[sflag:s23] =	ssyncset.done @!p2 $0x0  }
0x37: {  	s24 =	simm.s32 @!p1 $0x5080;
	p1 =	sle.s32 s18, $0x2;
	[sflag:s23] =	ssyncadd.s32 @!p2 $0xFFFFC000  }
0x38: {  	[spmem:s2] =	stream.indirect.scatter.add.f32 @!p2 [tilespmem:s22], [sflag:$0x3], $0x80, s24, s21, $0xb8;
	[tilespmem:$0x1DE80] =	vst v63  }
0x39: {  	p3 =	sle.u32 @!p1 s18, $0x3;
	s23 =	simm.s32 @!p2 $0x3;
	s21 =	simm.s32 $0x2  }
0x3a: {  	s24 =	simm.s32 @!p1 $0x100;
	s22 =	simm.s32 @!p1 $0x4;
	_ =	swait.ge @!p2 [sflag:s23], $0x4000  }
.LBB2_2:
0x3b: {  	p3 =	por p3, p1  }
0x3c: {  	s24 =	sadd.s32 @!p1 $0x5000, s24;
	[sflag:s23] =	ssyncset.done @!p2 $0x0;
	s25 =	smov.u32 s20  }
0x3d: {  	s28 =	simm.s32 @!p1 $0x1;
	s26 =	sshra.s32 @!p3 s19, $0x2;
	[sflag:s23] =	ssyncadd.s32 @!p2 $0xFFFFC000  }
0x3e: {  	s29 =	simm.s32 @!p3 $0x80;
	s30 =	simm.s32 @!p3 $0xE000;
	s23 =	sadd.s32 @!p3 $0x80, s26  }
0x3f: {  	[tilespmem:s30], [sflag:$0x2] =	stream.indirect.gather @!p3 [hbm4b:s4+s29], $0x80, s23, s29, $0xb8;
	[tilespmem:$0x1DE80] =	vst v63  }
0x40: {  	s20 =	sadd.s32 $0x400, s20;
	s26 =	sadd.s32 @!p3 $0x5080, s26;
	_ =	swait.ge @!p1 [sflag:s28], $0x4000  }
0x41: {  	p2 =	sge.u32 @!p1 s22, s18;
	s23 =	simm.s32 @!p1 $0x80;
	[sflag:s28] =	ssyncset.done @!p1 $0x0  }
0x42: {  	s22 =	simm.s32 @!p1 $0xA000;
	[sflag:s28] =	ssyncadd.s32 @!p1 $0xFFFFC000;
	s28 =	simm.s32 @!p1 $0x4  }
0x43: {  	[spmem:s2] =	stream.indirect.scatter.add.f32 @!p1 [tilespmem:s22], [sflag:$0x4], $0x80, s24, s23, $0xb8;
	[tilespmem:$0x1DE80] =	vst v63  }
0x44: {  	p4 =	sne.s32 s20, $0x13C00;
	p5 =	por p2, p1;
	_ =	swait.ge @!p1 [sflag:s28], $0x4000  }
0x45: {  	s22 =	simm.s32 @!p5 $0x80;
	s23 =	simm.s32 @!p5 $0xA000;
	[sflag:s28] =	ssyncset.done @!p1 $0x0  }
0x46: {  	s19 =	sshra.s32 @!p5 s19, $0x2;
	[sflag:s28] =	ssyncadd.s32 @!p1 $0xFFFFC000;
	s28 =	simm.s32 @!p3 $0x2  }
0x47: {  	p2 =	por p3, p3;
	s24 =	sadd.s32 @!p5 $0x100, s19;
	s19 =	smov.u32 s25  }
0x48: {  	[tilespmem:s23], [sflag:$0x1] =	stream.indirect.gather @!p5 [hbm4b:s4+s22], $0x80, s24, s22, $0xb8;
	[tilespmem:$0x1DE80] =	vst v63  }
.Ltmp0:
0x49: {  	s21 =	sadd.s32 $0x2, s21;
	_ =	swait.ge @!p2 [sflag:s28], $0x4000;
	(pc) =	sbr.rel @p4 .LBB2_2-.Ltmp0, $4  }
0x4a: {  	p1 =	sge.s32 s21, s18;
	s23 =	simm.s32 @!p2 $0x3;
	[sflag:s28] =	ssyncset.done @!p2 $0x0  }
0x4b: {  	s22 =	sadd.s32 @!p1 $0x1, s21;
	s24 =	sshra.s32 @!p1 s19, $0x2;
	[sflag:s28] =	ssyncadd.s32 @!p2 $0xFFFFC000  }
0x4c: {  	[spmem:s2] =	stream.indirect.scatter.add.f32 @!p2 [tilespmem:s30], [sflag:$0x3], $0x80, s26, s29, $0xb8;
	[tilespmem:$0x1DE80] =	vst v63  }
0x4d: {  	p3 =	sge.u32 @!p1 s22, s18;
	s22 =	sadd.s32 @!p1 $0x2, s21;
	_ =	swait.ge @!p2 [sflag:s23], $0x4000  }
0x4e: {  	p3 =	por p3, p1;
	[sflag:s23] =	ssyncset.done @!p2 $0x0  }
0x4f: {  	s21 =	simm.s32 @!p1 $0x1;
	s20 =	sshra.s32 @!p3 s19, $0x2;
	[sflag:s23] =	ssyncadd.s32 @!p2 $0xFFFFC000  }
0x50: {  	s25 =	simm.s32 @!p3 $0x80;
	s26 =	simm.s32 @!p3 $0xE000;
	s23 =	sadd.s32 @!p3 $0x80, s20  }
0x51: {  	[tilespmem:s26], [sflag:$0x2] =	stream.indirect.gather @!p3 [hbm4b:s4+s25], $0x80, s23, s25, $0xb8;
	[tilespmem:$0x1DE80] =	vst v63  }
0x52: {  	p2 =	sge.u32 @!p1 s22, s18;
	s18 =	simm.s32 @!p1 $0xA000;
	_ =	swait.ge @!p1 [sflag:s21], $0x4000  }
0x53: {  	p2 =	por p2, p1;
	s23 =	sadd.s32 @!p1 $0x5000, s24;
	[sflag:s21] =	ssyncset.done @!p1 $0x0  }
0x54: {  	s24 =	simm.s32 @!p1 $0x80;
	[sflag:s21] =	ssyncadd.s32 @!p1 $0xFFFFC000;
	s21 =	simm.s32 @!p1 $0x4  }
0x55: {  	[spmem:s2] =	stream.indirect.scatter.add.f32 @!p1 [tilespmem:s18], [sflag:$0x4], $0x80, s23, s24, $0xb8;
	[tilespmem:$0x1DE80] =	vst v63  }
0x56: {  	s22 =	simm.s32 @!p2 $0xA000;
	s19 =	sshra.s32 @!p2 s19, $0x2;
	_ =	swait.ge @!p1 [sflag:s21], $0x4000  }
0x57: {  	s19 =	sadd.s32 @!p2 $0x100, s19;
	s18 =	simm.s32 @!p2 $0x80;
	[sflag:s21] =	ssyncset.done @!p1 $0x0  }
0x58: {  	[sflag:s21] =	ssyncadd.s32 @!p1 $0xFFFFC000;
	s21 =	simm.s32 @!p3 $0x2;
	p1 =	por p3, p3  }
0x59: {  	[tilespmem:s22], [sflag:$0x1] =	stream.indirect.gather @!p2 [hbm4b:s4+s18], $0x80, s19, s18, $0xb8;
	[tilespmem:$0x1DE80] =	vst v63  }
0x5a: {  	_ =	swait.ge @!p1 [sflag:s21], $0x4000  }
0x5b: {  	[sflag:s21] =	ssyncset.done @!p1 $0x0  }
0x5c: {  	s18 =	sadd.s32 @!p3 $0x5080, s20;
	s19 =	simm.s32 @!p1 $0x3;
	[sflag:s21] =	ssyncadd.s32 @!p1 $0xFFFFC000  }
0x5d: {  	[spmem:s2] =	stream.indirect.scatter.add.f32 @!p1 [tilespmem:s26], [sflag:$0x3], $0x80, s18, s25, $0xb8;
	[tilespmem:$0x1DE80] =	vst v63  }
0x5e: {  	_ =	swait.ge @!p1 [sflag:s19], $0x4000  }
0x5f: {  	s17 =	sadd.s32 $0x1, s17;
	[sflag:s19] =	ssyncset.done @!p1 $0x0  }
0x60: {  	[sflag:s19] =	ssyncadd.s32 @!p1 $0xFFFFC000;
	p1 =	sne.s32 s17, s10  }
.Ltmp1:
0x61: {  	s18 =	simm.s32 @!p0 $0x3;
	[bflag:$0x0] =	sbarrier.arrive $0xFFFF;
	(pc) =	sbr.rel @p1 .LBB2_1-.Ltmp1, $4  }
0x62: {  	[hbm:s9], [sflag:s16] =	dma.local @!p0 [spmem:s12], $0x2780  }
0x63: {  	_ =	swait.ge @!p0 [sflag:s18], $0x2780  }
0x64: {  	[sflag:s18] =	ssyncset.done @!p0 $0x0  }
0x65: {  	[sflag:s18] =	ssyncadd.s32 @!p0 $0xFFFFD880  }
0x66: {  	_ =	sfence.sel $0x180000  }
0x67: {  	[bflag:$0x0] =	sbarrier.arrive $0xFFFF  }
0x68: {  	p0 =	sne.s32 s0, $0x0;
	_ =	strace $0x9000004D  }
0x69: {  	s0 =	sadd.s32 @!p0 $0x100000, s1;
	[bflag:$0x2] =	sbarrier.arrive $0xFFFF  }
0x6a: {  	[sflag:s0] =	ssyncadd.tile.s32 @!p0 $0x1;
	_ =	shalt  }
.Lfunc_end2:
_tile_overlayer_lowered:
.L_overlay_start_2:
0x6b: {  	(tag) =	ssettag $0x2  }
0x6c: {  	s0 =	rddreg [dreg:$0x0];
	s2 =	stileid.u32  }
0x6d: {  	s1 =	rddreg [dreg:$0x1];
	p0 =	sne.s32 s2, $0x0  }
0x6e: {  	s3 =	rddreg [dreg:$0x2];
	[bflag:$0x3] =	sbarrier.arrive $0xFFFF;
	s2 =	simm.s32 @!p0 $0x1C03  }
0x6f: {  	[timem:s3], [sflag:s2] =	dma.local @!p0 [hbm:s0], s1  }
0x70: {  	s0 =	simm.s32 @!p0 $0x3  }
0x71: {  	_ =	swait.ge @!p0 [sflag:s0], s1  }
0x72: {  	s1 =	ssub.s32 @!p0 $0x0, s1;
	[sflag:s0] =	ssyncset.done @!p0 $0x0  }
0x73: {  	[sflag:s0] =	ssyncadd.s32 @!p0 s1  }
0x74: {  	[bflag:$0x3] =	sbarrier.arrive $0xFFFF  }
0x75: {  	_ =	shalt  }

// kernel: kernel.9.cloned.1.call-start
scs
__scs_entry_jumppad:
0x0: {  	(pc) =	sbr.rel $0x88, $3  }
0x1: {  	(tag) =	ssettag $0x0;
	lr =	simm.s32 $0x1  }
0x2: {  	[smem:$0x3F9B] =	sst lr;
	_ =	strace $0xD0000000  }
0x3: {  	_ = 	snop  }
0x4: {  	_ = 	snop  }
0x5: {  	_ = 	snop  }
0x6: {  	_ = 	snop  }
0x7: {  	_ = 	snop  }
__scs_overlays_trampoline_lowered:
0x8: {  	[smem:$0x3FAA] =	sst s0  }
0x9: {  	[smem:$0x3FAB] =	sst s1  }
0xa: {  	[smem:$0x3FAC] =	sst s2  }
0xb: {  	[smem:$0x3FAD] =	sst s3  }
0xc: {  	[smem:$0x3FAE] =	sst s4  }
0xd: {  	[smem:$0x3FAF] =	sst s5  }
0xe: {  	[smem:$0x3FB0] =	sst s6  }
0xf: {  	[smem:$0x3FB1] =	sst s7  }
0x10: {  	[smem:$0x3FB2] =	sst s8  }
0x11: {  	[smem:$0x3FB3] =	sst s9;
	s0 =	simm.s32 @!p0 $0x0  }
0x12: {  	s1 =	sld [smem:$0x3F99];
	s0 =	simm.s32 @p0 $0x1  }
0x13: {  	[smem:$0x3FB4] =	sst s0;
	s0 =	simm.s32 @!p1 $0x0  }
0x14: {  	s2 =	sld [smem:$0x3F98];
	s0 =	simm.s32 @p1 $0x1  }
0x15: {  	[smem:$0x3FB5] =	sst s0;
	s0 =	simm.s32 @!p2 $0x0  }
0x16: {  	s3 =	sld [smem:$0x3FDB];
	s0 =	simm.s32 @p2 $0x1  }
0x17: {  	s4 =	simm.s32 $0x1BF5;
	[smem:$0x3FB7] =	sst s0  }
0x18: {  	s0 =	sld [smem:$0x3F9A];
	_ =	swait.ge [sflag:s4], $0x0  }
0x19: {  	s7 =	sld [smem:$0x3F9B]  }
0x1a: {  	s8 =	sadd.s32 $0xFFFFE003, lr  }
0x1b: {  	s9 =	sadd.s32 $0xFFFFFEF7, lr;
	s5 =	simm.s32 $0xFFFFFFFF;
	p2 =	slt.u32 s8, $0xFFFFF086  }
0x1c: {  	p1 =	slt.u32 s9, $0xF7A;
	s5 =	simm.s32 @!p2 $0x0  }
0x1d: {  	s5 =	simm.s32 @p1 $0x1;
	p0 =	seq.s32 s7, s2  }
0x1e: {  	s7 =	smul.u32 @!p0 $0xF7A, s2;
	p2 =	seq.s32 @!p0 s5, $0x0  }
0x1f: {  	s9 =	smul.u32 $0xF7A, s1;
	s8 =	simm.s32 @!p0 $0x1BF5;
	p2 =	por !p2, p0  }
0x20: {  	[sflag:s8] =	ssyncset.s32 @!p0 $0xFFFFF086;
	s6 =	sadd.s32 @!p0 s3, s7;
	s7 =	simm.s32 @!p0 $0x108  }
0x21: {  	s3 =	sadd.s32 s3, s9;
	s6 =	sadd.s32 @!p0 $0x88, s6;
	s7 =	simm.s32 @p2 $0x1082  }
0x22: {  	[simem:s7], [sflag:s8] =	dma.local @!p0 [hbm:s6], $0xF7A  }
0x23: {  	s9 =	sor.u32 $0xD0000000, s2;
	s6 =	simm.s32 $0x108;
	_ =	swait.ge @!p0 [sflag:s8], $0x0  }
0x24: {  	s3 =	sadd.s32 $0x88, s3;
	s6 =	simm.s32 @!p1 $0x1082;
	[sflag:s4] =	ssyncset.s32 $0xFFFFF086  }
0x25: {  	[simem:s6], [sflag:s4] =	dma.local [hbm:s3], $0xF7A  }
0x26: {  	[smem:$0x3F9B] =	sst s1;
	(tag) =	ssettag s2;
	_ =	strace s9  }
0x27: {  	s1 =	sld [smem:$0x3FAB]  }
0x28: {  	s2 =	sld [smem:$0x3FAC]  }
0x29: {  	s4 =	sld [smem:$0x3FAE]  }
0x2a: {  	p0 =	seq.s32 s5, $0x0;
	s5 =	sld [smem:$0x3FAF]  }
0x2b: {  	s6 =	sld [smem:$0x3FB0]  }
0x2c: {  	s7 =	sld [smem:$0x3FB1]  }
0x2d: {  	s3 =	simm.s32 $0x108;
	s8 =	sld [smem:$0x3FB2]  }
0x2e: {  	s3 =	simm.s32 @!p0 $0x1082;
	s9 =	sld [smem:$0x3FB3]  }
0x2f: {  	lr =	sadd.s32 s0, s3;
	s0 =	sld [smem:$0x3FAA]  }
0x30: {  	s3 =	sld [smem:$0x3FAD]  }
0x31: {  	[smem:$0x3FB6] =	sst s10  }
0x32: {  	s10 =	sld [smem:$0x3FB4];
	_ =	sdelay $0x3  }
0x33: {  	p0 =	seq.s32 s10, $0x1;
	s10 =	sld [smem:$0x3FB6];
	_ =	sdelay $0x3  }
0x34: {  	[smem:$0x3FB6] =	sst s10  }
0x35: {  	s10 =	sld [smem:$0x3FB5];
	_ =	sdelay $0x3  }
0x36: {  	p1 =	seq.s32 s10, $0x1;
	s10 =	sld [smem:$0x3FB6];
	_ =	sdelay $0x3  }
0x37: {  	[smem:$0x3FB6] =	sst s10  }
0x38: {  	s10 =	sld [smem:$0x3FB7]  }
0x39: {  	_ = 	snop;
	(pc) =	sbr.ind lr, $3  }
0x3a: {  	_ = 	snop  }
0x3b: {  	_ = 	snop  }
0x3c: {  	p2 =	seq.s32 s10, $0x1;
	s10 =	sld [smem:$0x3FB6]  }
0x3d: {  	_ =	shalt  }
0x3e: {  	_ =	shalt  }
0x3f: {  	_ =	shalt  }
0x40: {  	_ =	shalt  }
0x41: {  	_ =	shalt  }
0x42: {  	_ =	shalt  }
0x43: {  	_ =	shalt  }
0x44: {  	_ =	shalt  }
0x45: {  	_ =	shalt  }
0x46: {  	_ =	shalt  }
0x47: {  	_ =	shalt  }
0x48: {  	_ =	shalt  }
0x49: {  	_ =	shalt  }
0x4a: {  	_ =	shalt  }
0x4b: {  	_ =	shalt  }
0x4c: {  	_ =	shalt  }
0x4d: {  	_ =	shalt  }
0x4e: {  	_ =	shalt  }
0x4f: {  	_ =	shalt  }
0x50: {  	_ =	shalt  }
0x51: {  	_ =	shalt  }
0x52: {  	_ =	shalt  }
0x53: {  	_ =	shalt  }
0x54: {  	_ =	shalt  }
0x55: {  	_ =	shalt  }
0x56: {  	_ =	shalt  }
0x57: {  	_ =	shalt  }
0x58: {  	_ =	shalt  }
0x59: {  	_ =	shalt  }
0x5a: {  	_ =	shalt  }
0x5b: {  	_ =	shalt  }
0x5c: {  	_ =	shalt  }
0x5d: {  	_ =	shalt  }
0x5e: {  	_ =	shalt  }
0x5f: {  	_ =	shalt  }
0x60: {  	_ =	shalt  }
0x61: {  	_ =	shalt  }
0x62: {  	_ =	shalt  }
0x63: {  	_ =	shalt  }
0x64: {  	_ =	shalt  }
0x65: {  	_ =	shalt  }
0x66: {  	_ =	shalt  }
0x67: {  	_ =	shalt  }
0x68: {  	_ =	shalt  }
0x69: {  	_ =	shalt  }
0x6a: {  	_ =	shalt  }
0x6b: {  	_ =	shalt  }
0x6c: {  	_ =	shalt  }
0x6d: {  	_ =	shalt  }
0x6e: {  	_ =	shalt  }
0x6f: {  	_ =	shalt  }
0x70: {  	_ =	shalt  }
0x71: {  	_ =	shalt  }
0x72: {  	_ =	shalt  }
0x73: {  	_ =	shalt  }
0x74: {  	_ =	shalt  }
0x75: {  	_ =	shalt  }
0x76: {  	_ =	shalt  }
0x77: {  	_ =	shalt  }
0x78: {  	_ =	shalt  }
0x79: {  	_ =	shalt  }
0x7a: {  	_ =	shalt  }
0x7b: {  	_ =	shalt  }
0x7c: {  	_ =	shalt  }
0x7d: {  	_ =	shalt  }
0x7e: {  	_ =	shalt  }
0x7f: {  	_ =	shalt  }
0x80: {  	_ =	shalt  }
0x81: {  	_ =	shalt  }
0x82: {  	_ =	shalt  }
0x83: {  	_ =	shalt  }
0x84: {  	_ =	shalt  }
0x85: {  	_ =	shalt  }
0x86: {  	_ =	shalt  }
0x87: {  	_ =	shalt  }
.Lfunc_end0:
.L_simem_size_0:
called_computation_lowered:
.L_overlay_start_0:
0x88: {  	s2 =	sld [smem:$0x3FD9]  }
0x89: {  	s3 =	sld [smem:$0x3FFE];
	_ =	sdelay $0x1  }
0x8a: {  	s1 =	srdreg.scid  }
0x8b: {  	s0 =	sand.u32 $0x1, s1  }
0x8c: {  	s17 =	sshll.u32 s0, $0xA;
	s2 =	sadd.s32 s3, s2  }
0x8d: {  	s2 =	sadd.s32 s2, s17  }
0x8e: {  	[smem:$0x3FC2] =	sst s2  }
0x8f: {  	_ = 	snop  }
0x90: {  	s2 =	sld [smem:$0x3FD0];
	(tm) =	ssettm $0x1  }
0x91: {  	s18 =	sld [smem:$0x3FFB];
	_ =	sdelay $0x3  }
0x92: {  	_ =	strace s18  }
0x93: {  	s3 =	sld [smem:$0x3FFC];
	_ =	sdelay $0x3  }
0x94: {  	_ =	strace s3  }
0x95: {  	s3 =	sld [smem:$0x3FFD];
	_ =	sdelay $0x3  }
0x96: {  	_ =	strace s3  }
0x97: {  	_ =	strace $0x8FFFFFFF  }
0x98: {  	s19 =	sld [smem:$0x3FDB];
	_ =	sdelay $0x1  }
0x99: {  	s4 =	simm.s32 $_scs_section_size  }
0x9a: {  	s5 =	simm.s32 $_size__tile_overlayer_lowered;
	s6 =	simm.s32 $_tile_overlayer_lowered  }
0x9b: {  	s22 =	simm.s32 $0x1BFF;
	s21 =	sshll.u32 s6, $0x1;
	s3 =	sadd.s32 s4, s19  }
0x9c: {  	s7 =	simm.s32 $0x0;
	s20 =	sshll.u32 s5, $0x1;
	s5 =	sadd.s32 s21, s3  }
0x9d: {  	[timem:s7], [sflag:s22] =	dma.local [hbm:s5], s20  }
0x9e: {  	_ =	swait.ge [sflag:s22], s20  }
0x9f: {  	s4 =	ssub.s32 $0x0, s20;
	[sflag:s22] =	ssyncset.done $0x0  }
0xa0: {  	[sflag:s22] =	ssyncadd.s32 s4;
	_ =	sdelay $0x1  }
0xa1: {  	s23 =	simm.s32 $0x1B8B  }
0xa2: {  	_ =	swait.ge [sflag:s23], $0x1  }
0xa3: {  	[sflag:s23] =	ssyncset.done $0x0  }
0xa4: {  	s25 =	simm.s32 $0x1B8E;
	s24 =	sld [smem:$0x3FFE];
	[sflag:s23] =	ssyncadd.s32 $0xFFFFFFFF  }
0xa5: {  	s26 =	simm.s32 $execute0_lowered;
	[smem:$0x3FD2] =	sst s25  }
0xa6: {  	s5 =	sshll.u32 s26, $0x1;
	_ =	strace $0x80000046;
	[dreg:$0x1] =	wrdreg $0xFFFFFFFF  }
0xa7: {  	s28 =	simm.s32 $_size_execute0_lowered;
	s3 =	sadd.s32 s3, s5;
	[dreg:$0x0] =	wrdreg $0x0  }
0xa8: {  	s5 =	sshll.u32 s28, $0x1;
	[dreg:$0x2] =	wrdreg s3  }
0xa9: {  	[dreg:$0x3] =	wrdreg s5  }
0xaa: {  	[dreg:$0x4] =	wrdreg $0xC0  }
0xab: {  	_ =	task [dreg:s7], $0x5FFFF  }
0xac: {  	[dreg:$0x1] =	wrdreg $0xFFFFFFFF  }
0xad: {  	[dreg:$0x0] =	wrdreg $0x60  }
0xae: {  	[dreg:$0x2] =	wrdreg s24  }
0xaf: {  	[dreg:$0x3] =	wrdreg s2  }
0xb0: {  	[dreg:$0x4] =	wrdreg $0x9  }
0xb1: {  	_ =	task.clear_ibuf [dreg:s7], $0x5FFFF;
	_ =	strace $0x90000046  }
0xb2: {  	s29 =	simm.s32 $0x9;
	_ =	strace $0x80000048  }
0xb3: {  	_ =	swait.ge [sflag:s29], $0x1  }
0xb4: {  	[sflag:s29] =	ssyncadd.s32 $0xFFFFFFFF  }
0xb5: {  	_ =	strace $0x90000048  }
0xb6: {  	_ =	sfence  }
0xb7: {  	s30 =	sld [smem:$0x0];
	_ =	sdelay $0x2  }
0xb8: {  	s31 =	sshll.u32 s1, $0xD;
	s1 =	sshrl.u32 s1, $0x2  }
0xb9: {  	s3 =	sand.u32 $0x4000, s31;
	s1 =	sadd.s32 s1, s30  }
0xba: {  	s0 =	sor.u32 s3, s0;
	s1 =	sshll.u32 s1, $0x11  }
0xbb: {  	s0 =	sor.u32 s1, s0  }
0xbc: {  	s0 =	sadd.s32 $0x8F2B, s0  }
0xbd: {  	[sflag:s0] =	ssyncadd.remote.s32 $0x1  }
0xbe: {  	_ =	sfence.sel $0xFFFF  }
0xbf: {  	[dreg:$0x0] =	wrdreg $0xFFFFFFFF;
	(pc) =	sbr.abs _section_cstart, $3  }
0xc0: {  	[dreg:$0x1] =	wrdreg $0xFFFFFFFF  }
0xc1: {  	_ =	task.clear_ibuf [dreg:s7], $0x2FFFF;
	_ =	strace $0x9FFFFFFF  }
0xc2: {  	(tm) =	ssettm $0x7FFFFFFF  }
0xc3: {  	_ =	shalt  }
tec
execute0_lowered:
.L_overlay_start_1:
0x0: {  	(tag) =	ssettag $0x1  }
0x1: {  	s3 =	rddreg [dreg:$0x0];
	s0 =	stileid.u32  }
0x2: {  	s6 =	rddreg [dreg:$0x1];
	s2 =	srdreg.scid  }
0x3: {  	s1 =	rddreg [dreg:$0x2];
	s16 =	simm.s32 $0x13D00;
	s17 =	simm.s32 $0x15100  }
0x4: {  	s18 =	simm.s32 $0x1;
	s19 =	simm.s32 $0x0;
	s4 =	sshrl.u32 s0, $0x3  }
0x5: {  	s7 =	sand.u32 $0x1, s2;
	s2 =	simm.s32 $0x0;
	s5 =	smul.u32 $0x27800, s4  }
0x6: {  	s8 =	sshll.u32 s0, $0x7;
	s9 =	smul.u32 $0x4F000, s7;
	[smem:$0x7FF] =	sst s2  }
0x7: {  	s8 =	sand.u32 $0x380, s8;
	s25 =	smul.u32 $0x14000, s7;
	s11 =	sshll.u32 s7, $0xB  }
0x8: {  	s12 =	sshll.u32 s4, $0xA;
	s4 =	smul.u32 $0xA000, s4;
	s29 =	ssub.s32 $0x2, s7  }
0x9: {  	s14 =	smul.u32 $0x13C0, s7;
	_ =	strace $0x80000047;
	s26 =	sor.u32 s11, s12  }
0xa: {  	s30 =	sshrl.u32 s29, $0x1;
	s11 =	simm.s32 $0x400;
	s12 =	simm.s32 $0x2  }
0xb: {  	s10 =	sor.u32 s8, s5;
	s5 =	sadd.s32 s9, s5;
	s4 =	sadd.s32 s25, s4  }
0xc: {  	s15 =	sadd.s32 $0x13C0, s14;
	v0 =	vmov s14;
	s14 =	simm.s32 $0x9E00;
	s24 =	sshrl.u32 s10, $0x3  }
0xd: {  	s5 =	sor.u32 s8, s5;
	s4 =	sor.u32 s8, s4;
	s10 =	ssub.s32 s29, s30  }
0xe: {  	v1 =	vmov s15;
	s15 =	simm.s32 $0xED80;
	s9 =	sadd.s32 s24, s3;
	s13 =	sshrl.u32 s5, $0x3  }
0xf: {  	s5 =	sor.u32 s8, s26;
	s4 =	sshrl.u32 s4, $0x3;
	s28 =	sadd.s32 s13, s3  }
0x10: {  	s5 =	sshrl.u32 s5, $0x3;
	s31 =	sadd.s32 s4, s3;
	s4 =	sadd.s32 $0xC400, s9  }
0x11: {  	s6 =	sadd.s32 s6, s13;
	s13 =	simm.s32 $0x4F00;
	s5 =	sadd.s32 s5, s3  }
0x12: {  	v2 =	vlaneseq.u32;
	s3 =	sadd.s32 $0x2600, s9;
	s7 =	sadd.s32 $0x1B200, s28;
	s8 =	sadd.s32 $0x16200, s31  }
0x13: {  	v3 =	vimm.f32 $0.0e+00;
	v4 =	vimm.s32 $0x0;
	v5 =	vimm.f32 $1.000000000e+00;
	s9 =	smax.u32 s10, $0x1;
	s10 =	simm.s32 $0x80;
	s5 =	sadd.s32 $0x2EE00, s5  }
.LBB2_1:
0x14: {  	[tilespmem:s2], [sflag:$0x2] =	stream.strided.gather [hbm4b:s3+s10], $0x4F00, s11, s10, $0x38;
	[tilespmem:$0x15180] =	vst v63  }
0x15: {  	_ =	swait.ge [sflag:s12], $0x4F00  }
0x16: {  	[sflag:s12] =	ssyncset.done $0x0  }
0x17: {  	[sflag:s12] =	ssyncadd.s32 $0xFFFFB100  }
0x18: {  	[tilespmem:s13], [sflag:$0x2] =	stream.strided.gather [hbm4b:s4+s10], $0x4F00, s11, s10, $0x38;
	[tilespmem:$0x15180] =	vst v63  }
0x19: {  	_ =	swait.ge [sflag:s12], $0x4F00  }
0x1a: {  	v6 =	vor.u32 s2, v2;
	[sflag:s12] =	ssyncset.done $0x0  }
0x1b: {  	v7 =	vand.u32 $0x1FFF, v6;
	v6 =	vand.u32 $0x3FF, v6;
	[sflag:s12] =	ssyncadd.s32 $0xFFFFB100  }
0x1c: {  	v6 =	vadd.s32 $0x13C0, v6;
	[tilespmem:s14+$0x0] =	vst v7  }
0x1d: {  	s21 =	simm.s32 $0x10;
	s22 =	simm.s32 $0x9E00;
	s23 =	simm.s32 $0xED80;
	[tilespmem:s15+$0x0] =	vst v6  }
.LBB2_2:
0x1e: {  	p0 =	sne.s32 s21, $0x4F00  }
.Ltmp0:
0x1f: {  	_ = 	snop;
	(pc) =	sbr.rel @p0 .LBB2_2-.Ltmp0, $4  }
0x20: {  	v6 =	vor.u32 s21, v2  }
0x21: {  	s22 =	sadd.s32 $0x10, s22;
	v7 =	vand.u32 $0x1FFF, v6;
	v6 =	vand.u32 $0x3FF, v6  }
0x22: {  	s23 =	sadd.s32 $0x10, s23;
	[tilespmem:s22+$0x0] =	vst v7;
	v6 =	vadd.s32 $0x13C0, v6  }
0x23: {  	s21 =	sadd.s32 $0x10, s21;
	s20 =	simm.s32 $0x0;
	[tilespmem:s23+$0x0] =	vst v6  }
0x24: {  	s21 =	simm.s32 $0x40;
	s22 =	simm.s32 $0x0  }
.LBB2_4:
0x25: {  	p0 =	sne.s32 s21, $0x4EC0;
	[tilespmem:s22+$0x13D00] =	vst v3;
	s22 =	smov.u32 s21;
	s21 =	sadd.s32 $0x40, s21  }
.Ltmp1:
0x26: {  	(pc) =	sbr.rel @p0 .LBB2_4-.Ltmp1, $2  }
0x27: {  	_ =	sdelay $0x2  }
0x28: {  	s22 =	sshra.s32 s22, $0x2  }
0x29: {  	[tilespmem:s22+$0x13D00] =	vst v3;
	s21 =	simm.s32 $0x0  }
0x2a: {  	v6 =	vld [tilespmem:s21+$0x4F00];
	_ =	sdelay $0x4  }
0x2b: {  	vm0 =	vge.s32 v6, v0;
	vm1 =	vlt.s32 v6, v1  }
0x2c: {  	vm0 =	vmand vm0, vm1  }
0x2d: {  	v7 =	vsel vm0, $0x1, v4  }
0x2e: {  	(xrf0) =	vadd.scan.msk.s32 $0xffff, v7;
	_ =	sdelay $0x5  }
0x2f: {  	v7 =	vmov s20;
	v8, _, _ =	vpop (xrf0)  }
0x30: {  	v7 =	vadd.s32 $0xFFFFFFFF, v7;
	v9 =	vxor.u32 $0x80000000, v8  }
0x31: {  	v7 =	vbroadcast v7, $0x0;
	(xrf0) =	vmax.scan.msk.u32 $0xffff, v9;
	_ =	sdelay $0x1  }
0x32: {  	v7 =	vadd.s32 v8, v7  }
0x33: {  	v62 =	vld [tilespmem:s21+$0x0];
	v7 =	vnsel vm0, $0x0, v7  }
0x34: {  	v6 =	vsub.s32 v6, v0  }
0x35: {  	v6 =	vnsel vm0, $0x0, v6  }
0x36: {  	v63, _, _ =	vpop (xrf0)  }
0x37: {  	(v2sf) =	vpush v63, $0xF  }
0x38: {  	[tilespmem:v7+s14+$0x0] =	vst.idx.msk vm0, v62  }
0x39: {  	[tilespmem:v7+s15+$0x0] =	vst.idx.msk vm0, v6  }
0x3a: {  	s22 =	simm.s32 $0x10;
	s21 =	simm.s32 $0x80;
	[tilespmem:v6+s16+$0x0] =	vst.idx.add.f32.msk vm0, v5  }
.LBB2_6:
0x3b: {  	p0 =	sne.s32 s21, $0x13BC0;
	v6 =	vld [tilespmem:s22+$0x4F00]  }
0x3c: {  	v7 =	vld [tilespmem:s22+$0x0];
	_ =	sdelay $0x3  }
0x3d: {  	vm0 =	vge.s32 v6, v0;
	vm1 =	vlt.s32 v6, v1;
	v6 =	vsub.s32 v6, v0  }
0x3e: {  	vm0 =	vmand vm0, vm1  }
0x3f: {  	v6 =	vnsel vm0, $0x0, v6;
	v8 =	vsel vm0, $0x1, v4  }
0x40: {  	(xrf0) =	vadd.scan.msk.s32 $0xffff, v8;
	_ =	sdelay $0x2  }
0x41: {  	s22 =	spop (v2sf)  }
0x42: {  	s20 =	sadd.s32 s22, s20  }
0x43: {  	s20 =	sadd.s32 $0x80000000, s20  }
0x44: {  	v8 =	vmov s20;
	v9, _, _ =	vpop (xrf0)  }
0x45: {  	v8 =	vadd.s32 $0xFFFFFFFF, v8;
	v10 =	vxor.u32 $0x80000000, v9  }
0x46: {  	v8 =	vbroadcast v8, $0x0;
	(xrf0) =	vmax.scan.msk.u32 $0xffff, v10;
	_ =	sdelay $0x1  }
0x47: {  	v8 =	vadd.s32 v9, v8  }
0x48: {  	v8 =	vnsel vm0, $0x0, v8;
	_ =	sdelay $0x2  }
.Ltmp2:
0x49: {  	v9, _, _ =	vpop (xrf0);
	(pc) =	sbr.rel @p0 .LBB2_6-.Ltmp2, $4  }
0x4a: {  	(v2sf) =	vpush v9, $0xF  }
0x4b: {  	[tilespmem:v8+s14+$0x0] =	vst.idx.msk vm0, v7  }
0x4c: {  	[tilespmem:v8+s15+$0x0] =	vst.idx.msk vm0, v6  }
0x4d: {  	s22 =	sshra.s32 s21, $0x2;
	s21 =	sadd.s32 $0x40, s21;
	[tilespmem:v6+s16+$0x0] =	vst.idx.add.f32.msk vm0, v5  }
0x4e: {  	v6 =	vld [tilespmem:s22+$0x4F00];
	_ =	sdelay $0x4  }
0x4f: {  	vm0 =	vge.s32 v6, v0;
	vm1 =	vlt.s32 v6, v1  }
0x50: {  	vm0 =	vmand vm0, vm1  }
0x51: {  	v7 =	vsel vm0, $0x1, v4  }
0x52: {  	(xrf0) =	vadd.scan.msk.s32 $0xffff, v7;
	_ =	sdelay $0x5  }
0x53: {  	v7, _, _ =	vpop (xrf0)  }
0x54: {  	v8 =	vxor.u32 $0x80000000, v7  }
0x55: {  	(xrf0) =	vmax.scan.msk.u32 $0xffff, v8;
	_ =	sdelay $0x5  }
0x56: {  	v8, _, _ =	vpop (xrf0)  }
0x57: {  	(v2sf) =	vpush v8, $0xF;
	_ =	sdelay $0x4  }
0x58: {  	s21 =	spop (v2sf)  }
0x59: {  	s20 =	sadd.s32 s21, s20  }
0x5a: {  	s20 =	sadd.s32 $0x80000000, s20  }
0x5b: {  	v62 =	vmov s20  }
0x5c: {  	v8 =	vadd.s32 $0xFFFFFFFF, v62  }
0x5d: {  	v8 =	vbroadcast v8, $0x0;
	_ =	sdelay $0x1  }
0x5e: {  	v7 =	vadd.s32 v7, v8  }
0x5f: {  	v63 =	vld [tilespmem:s22+$0x0];
	v7 =	vnsel vm0, $0x0, v7  }
0x60: {  	v6 =	vsub.s32 v6, v0  }
0x61: {  	v6 =	vnsel vm0, $0x0, v6;
	s31 =	spop (v2sf)  }
0x62: {  	s20 =	sadd.s32 s31, s20  }
0x63: {  	s20 =	sadd.s32 $0x80000000, s20  }
0x64: {  	[tilespmem:v7+s14+$0x0] =	vst.idx.msk vm0, v63;
	s20 =	sadd.s32 $0x7F, s20  }
0x65: {  	[tilespmem:v7+s15+$0x0] =	vst.idx.msk vm0, v6;
	s20 =	sshra.s32 s20, $0x7  }
0x66: {  	[tilespmem:v6+s16+$0x0] =	vst.idx.add.f32.msk vm0, v5;
	v6 =	vmov s20  }
0x67: {  	[tilespmem:$0x15100] =	vst v6  }
0x68: {  	[hbm4b:s5+s2] =	stream.linear.scatter [tilespmem:s17], [sflag:$0x1], $0x80, $0x38;
	[tilespmem:$0x15180] =	vst v63  }
0x69: {  	_ = 	snop  }
0x6a: {  	[hbm4b:s6+s10] =	stream.strided.scatter [tilespmem:s14], [sflag:$0x2], $0x4F00, s11, s10, $0x38;
	[tilespmem:$0x15180] =	vst v63  }
0x6b: {  	_ =	swait.ge [sflag:s12], $0x4F00  }
0x6c: {  	[sflag:s12] =	ssyncset.done $0x0  }
0x6d: {  	[sflag:s12] =	ssyncadd.s32 $0xFFFFB100  }
0x6e: {  	[hbm4b:s7+s10] =	stream.strided.scatter [tilespmem:s15], [sflag:$0x2], $0x4F00, s11, s10, $0x38;
	[tilespmem:$0x15180] =	vst v63  }
0x6f: {  	_ =	swait.ge [sflag:s12], $0x4F00  }
0x70: {  	[sflag:s12] =	ssyncset.done $0x0  }
0x71: {  	s19 =	sadd.s32 $0x1, s19;
	[sflag:s12] =	ssyncadd.s32 $0xFFFFB100  }
0x72: {  	[hbm4b:s8+s10] =	stream.strided.scatter [tilespmem:s16], [sflag:$0x2], $0x1400, s11, s10, $0x38;
	[tilespmem:$0x15180] =	vst v63  }
0x73: {  	p0 =	sne.s32 s19, s9;
	_ =	swait.ge [sflag:s12], $0x1400  }
.Ltmp3:
0x74: {  	[sflag:s12] =	ssyncset.done $0x0;
	(pc) =	sbr.rel @p0 .LBB2_1-.Ltmp3, $4  }
0x75: {  	[sflag:s12] =	ssyncadd.s32 $0xFFFFEC00  }
0x76: {  	_ =	swait.ge [sflag:s18], $0x80  }
0x77: {  	[sflag:s18] =	ssyncset.done $0x0  }
0x78: {  	[sflag:s18] =	ssyncadd.s32 $0xFFFFFF80  }
0x79: {  	_ =	sfence.sel $0x180000  }
0x7a: {  	[bflag:$0x0] =	sbarrier.arrive $0xFFFF  }
0x7b: {  	p0 =	sne.s32 s0, $0x0;
	_ =	strace $0x90000047  }
0x7c: {  	s0 =	sadd.s32 @!p0 $0x100000, s1;
	[bflag:$0x2] =	sbarrier.arrive $0xFFFF  }
0x7d: {  	[sflag:s0] =	ssyncadd.tile.s32 @!p0 $0x1;
	_ =	shalt  }
.Lfunc_end2:
_tile_overlayer_lowered:
.L_overlay_start_2:
0x7e: {  	(tag) =	ssettag $0x2  }
0x7f: {  	s0 =	rddreg [dreg:$0x0];
	s2 =	stileid.u32  }
0x80: {  	s1 =	rddreg [dreg:$0x1];
	p0 =	sne.s32 s2, $0x0  }
0x81: {  	s3 =	rddreg [dreg:$0x2];
	[bflag:$0x3] =	sbarrier.arrive $0xFFFF;
	s2 =	simm.s32 @!p0 $0x1C02  }
0x82: {  	[timem:s3], [sflag:s2] =	dma.local @!p0 [hbm:s0], s1  }
0x83: {  	s0 =	simm.s32 @!p0 $0x2  }
0x84: {  	_ =	swait.ge @!p0 [sflag:s0], s1  }
0x85: {  	s1 =	ssub.s32 @!p0 $0x0, s1;
	[sflag:s0] =	ssyncset.done @!p0 $0x0  }
0x86: {  	[sflag:s0] =	ssyncadd.s32 @!p0 s1  }
0x87: {  	[bflag:$0x3] =	sbarrier.arrive $0xFFFF  }
0x88: {  	_ =	shalt  }

</sc_bundles>
